<compile_context>
chip_gen: v7x
topology: tpu7x:2x2x1
jax: 0.10.2.dev20260603
libtpu: 0.0.44.dev20260713+nightly
codegen_flags: <defaults>
</compile_context>

<pallas_src>
import functools
import math

import jax
import jax.numpy as jnp
from jax.experimental import pallas as pl
from jax.experimental.pallas import tpu as pltpu
from jax.experimental.pallas import tpu_sc as plsc

_EPS = 1e-5
_RV = 1.0 / math.sqrt(1.0 + _EPS)
_HI = jax.lax.Precision.HIGHEST


def _tc1_body(feats_ref, pos_ref, W_in_ref, Wq_ref, bq_ref, Wk_ref, bk_ref,
              Wv_ref, bv_ref, Wp1_ref, bp1_ref, g1_ref, be1_ref, Wp2_ref,
              bp2_ref, g2_ref, be2_ref, Wg1_ref, bg1_ref, gg1_ref, beg1_ref,
              gt_ref, c_ref, *, mid):
    s1 = _RV * gg1_ref[...]
    Wg1 = Wg1_ref[...]
    A1 = jnp.dot(Wk_ref[...], Wg1, precision=_HI) * s1
    A2 = -jnp.dot(Wq_ref[...], Wg1, precision=_HI) * s1
    cat = jnp.concatenate([A1, Wv_ref[...], A2], axis=1)
    WBIG = jnp.dot(W_in_ref[...], cat, precision=_HI)
    bias_G = jnp.dot(bk_ref[...], Wg1, precision=_HI) * s1
    bias_C = (bg1_ref[...] - jnp.dot(bq_ref[...], Wg1, precision=_HI)) * s1 \
        + beg1_ref[...]

    bf = jnp.bfloat16
    f32 = jnp.float32
    y = jnp.dot(feats_ref[...].astype(bf), WBIG.astype(bf),
                preferred_element_type=f32)
    h1 = jnp.dot(pos_ref[...].astype(bf), Wp1_ref[...].astype(bf),
                 preferred_element_type=f32) + bp1_ref[...]
    h1 = jnp.maximum(h1 * (_RV * g1_ref[...]) + be1_ref[...], 0.0)
    H = jnp.dot(h1.astype(bf), Wp2_ref[...].astype(bf),
                preferred_element_type=f32) + bp2_ref[...]
    H = jnp.maximum(H * (_RV * g2_ref[...]) + be2_ref[...], 0.0)
    G = y[:, :mid] + jnp.dot(H.astype(bf), (Wg1 * s1).astype(bf),
                             preferred_element_type=f32) + bias_G
    T = y[:, mid:2 * mid] + bv_ref[...] + H
    C = y[:, 2 * mid:] + bias_C
    gt_ref[...] = jnp.concatenate([G, T], axis=1)
    c_ref[...] = C


def _run_tc1(feats, pos, ws, n, mid, b1):
    grid = n // b1
    row = lambda i: (i, 0)
    full = lambda i: (0, 0)
    in_specs = [pl.BlockSpec((b1, feats.shape[1]), row),
                pl.BlockSpec((b1, pos.shape[1]), row)]
    in_specs += [pl.BlockSpec(w.shape, full) for w in ws]
    return pl.pallas_call(
        functools.partial(_tc1_body, mid=mid),
        grid=(grid,),
        in_specs=in_specs,
        out_specs=[pl.BlockSpec((b1, 2 * mid), row),
                   pl.BlockSpec((b1, mid), row)],
        out_shape=[jax.ShapeDtypeStruct((n, 2 * mid), jnp.float32),
                   jax.ShapeDtypeStruct((n, mid), jnp.float32)],
    )(feats, pos, *ws)


def _run_sc_gather(table, flat_idx, r_pad, gw, d):
    mesh = plsc.VectorSubcoreMesh(core_axis_name="core",
                                  subcore_axis_name="subcore")
    idx2 = flat_idx.reshape(1, r_pad)

    @functools.partial(
        pl.kernel,
        out_type=jax.ShapeDtypeStruct((r_pad, d), jnp.float32),
        mesh=mesh,
        scratch_types=[pltpu.SemaphoreType.DMA] * 4,
        compiler_params=pltpu.CompilerParams(use_tc_tiling_on_sc=False))
    def gather_kernel(x_hbm, i_hbm, o_hbm, *sems):
        def body(i_vmem, o_vmem):
            cps = [pltpu.async_copy(
                x_hbm.at[i_vmem.at[0, pl.ds(j * 128, 128)]],
                o_vmem.at[pl.ds(j * 128, 128)], sems[j]) for j in range(4)]
            for cp in cps:
                cp.wait()

        pltpu.emit_pipeline(
            body,
            grid=(r_pad // (4 * gw),),
            in_specs=[pl.BlockSpec((1, 4 * gw), lambda i: (0, i))],
            out_specs=[pl.BlockSpec((4 * gw, d), lambda i: (i, 0))],
            core_axis_name=("core", "subcore"),
            dimension_semantics=(pltpu.PARALLEL,),
        )(i_hbm, o_hbm)

    return gather_kernel(table, idx2)


def _tc2_body(gt_ref, c_ref, feats_ref, W128_ref, b128_ref, SG_ref, SHIFT_ref,
              W_out_ref, out_ref, *, b2, mid):
    rows = 4 * b2
    bf = jnp.bfloat16
    f32 = jnp.float32
    gt = gt_ref[...]
    c = c_ref[...]
    zeros = jnp.zeros((b2, mid), f32)
    c32 = jnp.concatenate([c, zeros], axis=1)
    c128 = jnp.concatenate([c32, c32, c32, c32], axis=1)
    cb = jnp.broadcast_to(c128[:, None, :], (b2, 4, 128)).reshape(rows, 128)
    lane = jax.lax.broadcasted_iota(jnp.int32, (rows, 128), 1)
    gmask = (lane % 32) < mid
    w1 = jnp.where(gmask, jnp.maximum(gt + cb, 0.0), gt)
    w1b = w1.astype(bf)
    y = jnp.dot(w1b, W128_ref[...], preferred_element_type=f32) + b128_ref[...]
    w2 = jnp.where(gmask, jnp.maximum(y, 0.0), 0.0)
    e = jnp.exp(w2)
    eb = e.astype(bf)
    z4 = jnp.dot(eb, SG_ref[...], preferred_element_type=f32)
    z = jnp.sum(z4.reshape(b2, 4, 128), axis=1)
    tsh = jnp.dot(w1b, SHIFT_ref[...], preferred_element_type=f32)
    p = (e * tsh).astype(bf)
    a4 = jnp.dot(p, SG_ref[...], preferred_element_type=f32)
    a = jnp.sum(a4.reshape(b2, 4, 128), axis=1)
    op = a[:, :mid] / z[:, :mid]
    out_ref[...] = jnp.dot(op, W_out_ref[...]) + feats_ref[...]


def _run_tc2(gtg_p, c, feats, ws, pts, k, mid, inc, b2, off):
    grid = pts // b2
    row = lambda i: (i, 0)
    offrow = lambda i: (i + off, 0)
    full = lambda i: (0, 0)
    in_specs = [pl.BlockSpec((b2 * k // 4, 128), row),
                pl.BlockSpec((b2, mid), offrow),
                pl.BlockSpec((b2, inc), offrow)]
    in_specs += [pl.BlockSpec(w.shape, full) for w in ws]
    return pl.pallas_call(
        functools.partial(_tc2_body, b2=b2, mid=mid),
        grid=(grid,),
        in_specs=in_specs,
        out_specs=pl.BlockSpec((b2, inc), row),
        out_shape=jax.ShapeDtypeStruct((pts, inc), jnp.float32),
    )(gtg_p, c, feats, *ws)


def kernel(pos, feats, idx, W_in, Wq, bq, Wk, bk, Wv, bv, Wp1, bp1, g1, be1,
           Wp2, bp2, g2, be2, Wg1, bg1, gg1, beg1, Wg2, bg2, gg2, beg2,
           W_out):
    n, k = idx.shape
    mid = Wq.shape[0]
    inc = feats.shape[1]

    r2 = lambda a: a.reshape(1, -1)
    ws1 = [W_in, Wq, r2(bq), Wk, r2(bk), Wv, r2(bv), Wp1, r2(bp1), r2(g1),
           r2(be1), Wp2, r2(bp2), r2(g2), r2(be2), Wg1, r2(bg1), r2(gg1),
           r2(beg1)]

    b1 = 5000
    gt, c = _run_tc1(feats, pos, ws1, n, mid, b1)

    s2 = _RV * gg2
    Wg2p = Wg2 * s2[None, :]
    bg2p = bg2 * s2 + beg2
    blk = jnp.zeros((2 * mid, 2 * mid), jnp.float32)
    blk = blk.at[:mid, :mid].set(Wg2p)
    W128 = jax.scipy.linalg.block_diag(blk, blk, blk, blk).astype(jnp.bfloat16)
    b32 = jnp.concatenate([bg2p, jnp.zeros((mid,), jnp.float32)])
    b128 = jnp.tile(b32, 4).reshape(1, 4 * 2 * mid)
    eye32 = jnp.eye(2 * mid, dtype=jnp.bfloat16)
    SG = jnp.tile(eye32, (4, 4))
    sblk = jnp.zeros((2 * mid, 2 * mid), jnp.float32)
    sblk = sblk.at[mid:, :mid].set(jnp.eye(mid, dtype=jnp.float32))
    SHIFT = jax.scipy.linalg.block_diag(
        sblk, sblk, sblk, sblk).astype(jnp.bfloat16)

    ws2 = [W128, b128, SG, SHIFT, W_out]

    gw = 128
    nw = 32
    nch = 2
    b2 = 1000
    pts = n // nch
    rc = pts * k
    rc_pad = ((rc + 4 * gw * nw - 1) // (4 * gw * nw)) * (4 * gw * nw)
    pad = jnp.zeros((rc_pad - rc,), jnp.int32)
    flat_all = idx.reshape(-1)
    outs = []
    for i in range(nch):
        fi = jax.lax.slice(flat_all, (i * rc,), ((i + 1) * rc,))
        if rc_pad != rc:
            fi = jnp.concatenate([fi, pad])
        g = _run_sc_gather(gt, fi, rc_pad, gw, 2 * mid)
        gp = g.reshape(rc_pad // 4, 4 * 2 * mid)
        outs.append(_run_tc2(gp, c, feats, ws2, pts, k, mid, inc, b2,
                             i * (pts // b2)))
    return jnp.concatenate(outs, axis=0)

# --- scband reference (transcript-rebuilt; emitter-appended) ---
"""Pipeline reference for scband-point-transformer-86947317940513 (READ-ONLY COPY).

The authoritative reference and input builder live on the scoring server;
editing this copy changes nothing except your own understanding.
"""

import jax, jax.numpy as jnp
import numpy as np

N = 50000
INC = 64
MID = 16
K = 16
EPS = 1e-5


def setup_inputs(seed: int = 0) -> dict:
    key = jax.random.key(seed)
    ks = jax.random.split(key, 30)
    s = 0.1
    inp = {}
    inp['pos'] = jax.random.normal(ks[0], (N, 3), jnp.float32) * 10.0
    inp['feats'] = jax.random.normal(ks[1], (N, INC), jnp.float32)
    inp['idx'] = jax.random.randint(ks[2], (N, K), 0, N).astype(jnp.int32)
    inp['W_in'] = jax.random.normal(ks[3], (INC, MID), jnp.float32) * s
    inp['Wq'] = jax.random.normal(ks[4], (MID, MID), jnp.float32) * s
    inp['bq'] = jax.random.normal(ks[5], (MID,), jnp.float32) * s
    inp['Wk'] = jax.random.normal(ks[6], (MID, MID), jnp.float32) * s
    inp['bk'] = jax.random.normal(ks[7], (MID,), jnp.float32) * s
    inp['Wv'] = jax.random.normal(ks[8], (MID, MID), jnp.float32) * s
    inp['bv'] = jax.random.normal(ks[9], (MID,), jnp.float32) * s
    inp['Wp1'] = jax.random.normal(ks[10], (3, 3), jnp.float32) * s
    inp['bp1'] = jax.random.normal(ks[11], (3,), jnp.float32) * s
    inp['g1'] = jnp.ones((3,), jnp.float32)
    inp['be1'] = jnp.zeros((3,), jnp.float32)
    inp['Wp2'] = jax.random.normal(ks[12], (3, MID), jnp.float32) * s
    inp['bp2'] = jax.random.normal(ks[13], (MID,), jnp.float32) * s
    inp['g2'] = jnp.ones((MID,), jnp.float32)
    inp['be2'] = jnp.zeros((MID,), jnp.float32)
    inp['Wg1'] = jax.random.normal(ks[14], (MID, MID), jnp.float32) * s
    inp['bg1'] = jax.random.normal(ks[15], (MID,), jnp.float32) * s
    inp['gg1'] = jnp.ones((MID,), jnp.float32)
    inp['beg1'] = jnp.zeros((MID,), jnp.float32)
    inp['Wg2'] = jax.random.normal(ks[16], (MID, MID), jnp.float32) * s
    inp['bg2'] = jax.random.normal(ks[17], (MID,), jnp.float32) * s
    inp['gg2'] = jnp.ones((MID,), jnp.float32)
    inp['beg2'] = jnp.zeros((MID,), jnp.float32)
    inp['W_out'] = jax.random.normal(ks[18], (MID, INC), jnp.float32) * s
    return inp


def _bn(x, g, b):
    # inference-mode BatchNorm1d with running_mean=0, running_var=1
    return x / jnp.sqrt(1.0 + EPS) * g + b


def reference(pos, feats, idx, W_in, Wq, bq, Wk, bk, Wv, bv, Wp1, bp1, g1, be1, Wp2, bp2, g2, be2, Wg1, bg1, gg1, beg1, Wg2, bg2, gg2, beg2, W_out):
    xx = feats @ W_in
    q = xx @ Wq + bq
    kk = xx @ Wk + bk
    v = xx @ Wv + bv
    xv = jnp.take(v, idx, axis=0)      # [N, K, MID]
    xk = jnp.take(kk, idx, axis=0)     # [N, K, MID]
    xpos = jnp.take(pos, idx, axis=0)  # [N, K, 3]
    # pos_enc: Linear(3,3) -> BN(3) -> ReLU -> Linear(3,MID) -> BN(MID) -> ReLU
    h = xpos @ Wp1 + bp1
    h = jax.nn.relu(_bn(h, g1, be1))
    h = h @ Wp2 + bp2
    h = jax.nn.relu(_bn(h, g2, be2))
    # attention weights
    w = xk - q[:, None, :] + h
    w = w @ Wg1 + bg1
    w = jax.nn.relu(_bn(w, gg1, beg1))
    w = w @ Wg2 + bg2
    w = jax.nn.relu(_bn(w, gg2, beg2))
    w = jax.nn.softmax(w, axis=1)
    out = jnp.sum((xv + h) * w, axis=1)
    out = out @ W_out
    return out + feats

if __name__ == "__main__":
    import jax
    _d = setup_inputs()
    print(jax.jit(kernel)(*tuple(_d.values())))

</pallas_src>

<mosaic_0001>
#map = affine_map<(d0, d1) -> (0, 0)>
module attributes {stable_mosaic.version = 14 : i64} {
  func.func @gather_kernel(%arg0: i32, %arg1: i32, %arg2: memref<50000x32xf32, #tpu.memory_space<hbm>>, %arg3: memref<1x409600xi32, #tpu.memory_space<hbm>>, %arg4: memref<409600x32xf32, #tpu.memory_space<hbm>>, %arg5: memref<!tpu.dma_semaphore, #tpu.memory_space<semaphore_mem>>, %arg6: memref<!tpu.dma_semaphore, #tpu.memory_space<semaphore_mem>>, %arg7: memref<!tpu.dma_semaphore, #tpu.memory_space<semaphore_mem>>, %arg8: memref<!tpu.dma_semaphore, #tpu.memory_space<semaphore_mem>>) attributes {dimension_semantics = [#tpu.dimension_semantics<core_parallel>, #tpu.dimension_semantics<subcore_parallel>], iteration_bounds = array<i64: 2, 16>, scalar_prefetch = 0 : i64, scratch_operands = 4 : i64, tpu.core_type = #tpu.core_type<sc_vector_subcore>, window_params = [{transform_indices = #map}, {transform_indices = #map}, {transform_indices = #map}]} {
    %mul3A = arith.constant 1 : i32
    %mul3A_0 = arith.muli %arg1, %mul3A : i32
    %add3A = arith.constant 0 : i32
    %add3A_1 = arith.addi %add3A, %mul3A_0 : i32
    %mul3A_2 = arith.constant 16 : i32
    %mul3A_3 = arith.muli %arg0, %mul3A_2 : i32
    %add3A_4 = arith.addi %add3A_1, %mul3A_3 : i32
    %mul3A_5 = arith.constant 25 : i32
    %mul3A_6 = arith.muli %add3A_4, %mul3A_5 : i32
    "tpu.region"() ({
      %run_scoped3A = memref.alloca() : memref<2x1x512xi32, #tpu.memory_space<vmem>>
      %run_scoped3A_7 = tpu.sem_alloc : memref<2x!tpu.dma_semaphore, #tpu.memory_space<semaphore_mem>>
      %run_scoped3A_8 = memref.alloca() : memref<2x512x32xf32, #tpu.memory_space<vmem>>
      %run_scoped3A_9 = tpu.sem_alloc : memref<2x!tpu.dma_semaphore, #tpu.memory_space<semaphore_mem>>
      %add3A_10 = arith.constant 0 : i32
      %add3A_11 = arith.addi %add3A_10, %mul3A_6 : i32
      %select_n3A = arith.constant true
      %select_n3A_12 = arith.constant 0 : i32
      %select_n3A_13 = arith.constant -1 : i32
      %select_n3A_14 = arith.select %select_n3A, %select_n3A_13, %select_n3A_12 : i32
      %eq3A = arith.constant -1 : i32
      %eq3A_15 = arith.cmpi eq, %select_n3A_14, %eq3A : i32
      %select_n3A_16 = arith.constant 24 : i32
      %select_n3A_17 = arith.select %eq3A_15, %select_n3A_16, %select_n3A_14 : i32
      %add3A_18 = arith.addi %select_n3A_17, %mul3A_6 : i32
      %select_n3A_19 = arith.constant true
      %select_n3A_20 = arith.constant 0 : i32
      %select_n3A_21 = arith.constant 1 : i32
      %select_n3A_22 = arith.select %select_n3A_19, %select_n3A_21, %select_n3A_20 : i32
      %eq3A_23 = arith.constant 25 : i32
      %eq3A_24 = arith.cmpi eq, %select_n3A_22, %eq3A_23 : i32
      %select_n3A_25 = arith.constant 0 : i32
      %select_n3A_26 = arith.select %eq3A_24, %select_n3A_25, %select_n3A_22 : i32
      %add3A_27 = arith.addi %select_n3A_26, %mul3A_6 : i32
      %add3A_28 = arith.constant 1 : i32
      %add3A_29 = arith.addi %select_n3A_26, %add3A_28 : i32
      %select_n3A_30 = arith.constant true
      %select_n3A_31 = arith.select %select_n3A_30, %add3A_29, %select_n3A_26 : i32
      %eq3A_32 = arith.constant 25 : i32
      %eq3A_33 = arith.cmpi eq, %select_n3A_31, %eq3A_32 : i32
      %select_n3A_34 = arith.constant 0 : i32
      %select_n3A_35 = arith.select %eq3A_33, %select_n3A_34, %select_n3A_31 : i32
      %add3A_36 = arith.addi %select_n3A_35, %mul3A_6 : i32
      "tpu.trace_start"() <{level = 10 : i32, message = "ep_initialize_0"}> : () -> ()
      %rem3A = arith.constant 0 : i32
      %rem3A_37 = arith.constant 2 : i32
      %rem3A_38 = arith.remui %rem3A, %rem3A_37 : i32
      %mul3A_39 = arith.constant 512 : i32
      %mul3A_40 = arith.muli %mul3A_39, %add3A_11 : i32
      %dma_start3A = arith.constant 0 : i32
      %dma_start3A_41 = arith.constant 0 : i32
      %dma_start3A_42 = tpu.memref_slice %run_scoped3A[%rem3A_38, %dma_start3A, %dma_start3A_41] : memref<2x1x512xi32, #tpu.memory_space<vmem>> -> memref<1x1x512xi32, #tpu.memory_space<vmem>>
      %dma_start3A_43 = tpu.memref_squeeze %dma_start3A_42 : memref<1x1x512xi32, #tpu.memory_space<vmem>> -> memref<1x512xi32, #tpu.memory_space<vmem>>
      %dma_start3A_44 = arith.constant 0 : i32
      %dma_start3A_45 = tpu.memref_slice %arg3[%dma_start3A_44, %mul3A_40] : memref<1x409600xi32, #tpu.memory_space<hbm>> -> memref<1x512xi32, #tpu.memory_space<hbm>>
      %dma_start3A_46 = tpu.memref_slice %run_scoped3A_7[%rem3A_38] : memref<2x!tpu.dma_semaphore, #tpu.memory_space<semaphore_mem>> -> memref<1x!tpu.dma_semaphore, #tpu.memory_space<semaphore_mem>>
      %dma_start3A_47 = tpu.memref_squeeze %dma_start3A_46 : memref<1x!tpu.dma_semaphore, #tpu.memory_space<semaphore_mem>> -> memref<!tpu.dma_semaphore, #tpu.memory_space<semaphore_mem>>
      %dma_start3A_48 = arith.constant 0 : i32
      %dma_start3A_49 = arith.constant 0 : i32
      %dma_start3A_50 = tpu.memref_slice %run_scoped3A[%rem3A_38, %dma_start3A_48, %dma_start3A_49] : memref<2x1x512xi32, #tpu.memory_space<vmem>> -> memref<1x1x512xi32, #tpu.memory_space<vmem>>
      %dma_start3A_51 = tpu.memref_squeeze %dma_start3A_50 : memref<1x1x512xi32, #tpu.memory_space<vmem>> -> memref<1x512xi32, #tpu.memory_space<vmem>>
      %dma_start3A_52 = arith.constant 0 : i32
      %dma_start3A_53 = tpu.memref_slice %arg3[%dma_start3A_52, %mul3A_40] : memref<1x409600xi32, #tpu.memory_space<hbm>> -> memref<1x512xi32, #tpu.memory_space<hbm>>
      tpu.enqueue_dma source(%dma_start3A_53 : memref<1x512xi32, #tpu.memory_space<hbm>>) target(%dma_start3A_51 : memref<1x512xi32, #tpu.memory_space<vmem>>) target_semaphore(%dma_start3A_47 : memref<!tpu.dma_semaphore, #tpu.memory_space<semaphore_mem>>)
      %add3A_54 = arith.constant 0 : i32
      %add3A_55 = arith.constant 1 : i32
      %add3A_56 = arith.addi %add3A_54, %add3A_55 : i32
      %select_n3A_57 = arith.constant true
      %select_n3A_58 = arith.constant 0 : i32
      %select_n3A_59 = arith.select %select_n3A_57, %add3A_56, %select_n3A_58 : i32
      "tpu.trace_stop"() : () -> ()
      %scan3A = arith.constant 0 : i32
      %scan3A_60 = arith.constant 0 : i32
      %scan3A_61 = arith.constant 0 : i32
      %scan3A_62 = arith.constant 0 : i32
      %scan3A_63 = arith.constant 0 : i32
      %scan3A_64 = arith.constant 25 : i32
      %scan3A_65 = arith.addi %scan3A_63, %scan3A_64 : i32
      %scan3A_66 = arith.constant 1 : i32
      %scan3A_67:5 = scf.for %scan3A_121 = %scan3A_63 to %scan3A_65 step %scan3A_66 iter_args(%scan3A_122 = %select_n3A_59, %scan3A_123 = %scan3A, %scan3A_124 = %scan3A_60, %scan3A_125 = %scan3A_61, %scan3A_126 = %scan3A_62) -> (i32, i32, i32, i32, i32)  : i32 {
        %eq3A_127 = arith.constant 0 : i32
        %eq3A_128 = arith.cmpi eq, %scan3A_121, %eq3A_127 : i32
        %eq3A_129 = arith.constant 24 : i32
        %eq3A_130 = arith.cmpi eq, %scan3A_121, %eq3A_129 : i32
        %add3A_131 = arith.addi %scan3A_126, %mul3A_6 : i32
        %sub3A_132 = arith.constant 1 : i32
        %sub3A_133 = arith.subi %scan3A_126, %sub3A_132 : i32
        %select_n3A_134 = arith.constant true
        %select_n3A_135 = arith.select %select_n3A_134, %sub3A_133, %scan3A_126 : i32
        %eq3A_136 = arith.constant -1 : i32
        %eq3A_137 = arith.cmpi eq, %select_n3A_135, %eq3A_136 : i32
        %select_n3A_138 = arith.constant 24 : i32
        %select_n3A_139 = arith.select %eq3A_137, %select_n3A_138, %select_n3A_135 : i32
        %add3A_140 = arith.addi %select_n3A_139, %mul3A_6 : i32
        %add3A_141 = arith.constant 1 : i32
        %add3A_142 = arith.addi %scan3A_126, %add3A_141 : i32
        %select_n3A_143 = arith.constant true
        %select_n3A_144 = arith.select %select_n3A_143, %add3A_142, %scan3A_126 : i32
        %eq3A_145 = arith.constant 25 : i32
        %eq3A_146 = arith.cmpi eq, %select_n3A_144, %eq3A_145 : i32
        %select_n3A_147 = arith.constant 0 : i32
        %select_n3A_148 = arith.select %eq3A_146, %select_n3A_147, %select_n3A_144 : i32
        %add3A_149 = arith.addi %select_n3A_148, %mul3A_6 : i32
        %add3A_150 = arith.constant 1 : i32
        %add3A_151 = arith.addi %select_n3A_148, %add3A_150 : i32
        %select_n3A_152 = arith.constant true
        %select_n3A_153 = arith.select %select_n3A_152, %add3A_151, %select_n3A_148 : i32
        %eq3A_154 = arith.constant 25 : i32
        %eq3A_155 = arith.cmpi eq, %select_n3A_153, %eq3A_154 : i32
        %select_n3A_156 = arith.constant 0 : i32
        %select_n3A_157 = arith.select %eq3A_155, %select_n3A_156, %select_n3A_153 : i32
        %add3A_158 = arith.addi %select_n3A_157, %mul3A_6 : i32
        %ne3A = arith.cmpi ne, %add3A_131, %add3A_149 : i32
        %or3A = arith.constant false
        %or3A_159 = arith.ori %or3A, %ne3A : i1
        %ge3A = arith.constant 24 : i32
        %ge3A_160 = arith.cmpi sge, %scan3A_121, %ge3A : i32
        %not3A = arith.constant true
        %not3A_161 = arith.xori %ge3A_160, %not3A : i1
        %and3A = arith.andi %or3A_159, %not3A_161 : i1
        %convert_element_type3A = arith.extui %and3A : i1 to i32
        %cond3A = arith.constant 0 : i32
        %cond3A_162 = arith.cmpi ne, %convert_element_type3A, %cond3A : i32
        scf.if %cond3A_162 {
          "tpu.trace_start"() <{level = 10 : i32, message = "ep_copy_in"}> : () -> ()
          %rem3A_407 = arith.constant 2 : i32
          %rem3A_408 = arith.remui %scan3A_122, %rem3A_407 : i32
          %mul3A_409 = arith.constant 512 : i32
          %mul3A_410 = arith.muli %mul3A_409, %add3A_149 : i32
          %dma_start3A_411 = arith.constant 0 : i32
          %dma_start3A_412 = arith.constant 0 : i32
          %dma_start3A_413 = tpu.memref_slice %run_scoped3A[%rem3A_408, %dma_start3A_411, %dma_start3A_412] : memref<2x1x512xi32, #tpu.memory_space<vmem>> -> memref<1x1x512xi32, #tpu.memory_space<vmem>>
          %dma_start3A_414 = tpu.memref_squeeze %dma_start3A_413 : memref<1x1x512xi32, #tpu.memory_space<vmem>> -> memref<1x512xi32, #tpu.memory_space<vmem>>
          %dma_start3A_415 = arith.constant 0 : i32
          %dma_start3A_416 = tpu.memref_slice %arg3[%dma_start3A_415, %mul3A_410] : memref<1x409600xi32, #tpu.memory_space<hbm>> -> memref<1x512xi32, #tpu.memory_space<hbm>>
          %dma_start3A_417 = tpu.memref_slice %run_scoped3A_7[%rem3A_408] : memref<2x!tpu.dma_semaphore, #tpu.memory_space<semaphore_mem>> -> memref<1x!tpu.dma_semaphore, #tpu.memory_space<semaphore_mem>>
          %dma_start3A_418 = tpu.memref_squeeze %dma_start3A_417 : memref<1x!tpu.dma_semaphore, #tpu.memory_space<semaphore_mem>> -> memref<!tpu.dma_semaphore, #tpu.memory_space<semaphore_mem>>
          %dma_start3A_419 = arith.constant 0 : i32
          %dma_start3A_420 = arith.constant 0 : i32
          %dma_start3A_421 = tpu.memref_slice %run_scoped3A[%rem3A_408, %dma_start3A_419, %dma_start3A_420] : memref<2x1x512xi32, #tpu.memory_space<vmem>> -> memref<1x1x512xi32, #tpu.memory_space<vmem>>
          %dma_start3A_422 = tpu.memref_squeeze %dma_start3A_421 : memref<1x1x512xi32, #tpu.memory_space<vmem>> -> memref<1x512xi32, #tpu.memory_space<vmem>>
          %dma_start3A_423 = arith.constant 0 : i32
          %dma_start3A_424 = tpu.memref_slice %arg3[%dma_start3A_423, %mul3A_410] : memref<1x409600xi32, #tpu.memory_space<hbm>> -> memref<1x512xi32, #tpu.memory_space<hbm>>
          tpu.enqueue_dma source(%dma_start3A_424 : memref<1x512xi32, #tpu.memory_space<hbm>>) target(%dma_start3A_422 : memref<1x512xi32, #tpu.memory_space<vmem>>) target_semaphore(%dma_start3A_418 : memref<!tpu.dma_semaphore, #tpu.memory_space<semaphore_mem>>)
          "tpu.trace_stop"() : () -> ()
        } else {
        }
        %and3A_163 = arith.constant true
        %and3A_164 = arith.andi %and3A, %and3A_163 : i1
        %add3A_165 = arith.constant 1 : i32
        %add3A_166 = arith.addi %scan3A_122, %add3A_165 : i32
        %select_n3A_167 = arith.select %and3A_164, %add3A_166, %scan3A_122 : i32
        %ne3A_168 = arith.cmpi ne, %add3A_131, %add3A_149 : i32
        %or3A_169 = arith.constant false
        %or3A_170 = arith.ori %or3A_169, %ne3A_168 : i1
        %or3A_171 = arith.constant false
        %or3A_172 = arith.ori %or3A_170, %or3A_171 : i1
        %ge3A_173 = arith.constant 24 : i32
        %ge3A_174 = arith.cmpi sge, %scan3A_121, %ge3A_173 : i32
        %not3A_175 = arith.constant true
        %not3A_176 = arith.xori %ge3A_174, %not3A_175 : i1
        %and3A_177 = arith.andi %or3A_172, %not3A_176 : i1
        %ne3A_178 = arith.cmpi ne, %add3A_131, %add3A_140 : i32
        %or3A_179 = arith.constant false
        %or3A_180 = arith.ori %or3A_179, %ne3A_178 : i1
        %or3A_181 = arith.ori %or3A_180, %eq3A_128 : i1
        %convert_element_type3A_182 = arith.extui %or3A_181 : i1 to i32
        %cond3A_183 = arith.constant 0 : i32
        %cond3A_184 = arith.cmpi ne, %convert_element_type3A_182, %cond3A_183 : i32
        scf.if %cond3A_184 {
          "tpu.trace_start"() <{level = 10 : i32, message = "ep_wait_in"}> : () -> ()
          %mul3A_407 = arith.constant 512 : i32
          %mul3A_408 = arith.muli %mul3A_407, %add3A_131 : i32
          %rem3A_409 = arith.constant 2 : i32
          %rem3A_410 = arith.remui %scan3A_123, %rem3A_409 : i32
          %dma_wait3A_411 = arith.constant 0 : i32
          %dma_wait3A_412 = arith.constant 0 : i32
          %dma_wait3A_413 = tpu.memref_slice %run_scoped3A[%rem3A_410, %dma_wait3A_411, %dma_wait3A_412] : memref<2x1x512xi32, #tpu.memory_space<vmem>> -> memref<1x1x512xi32, #tpu.memory_space<vmem>>
          %dma_wait3A_414 = tpu.memref_squeeze %dma_wait3A_413 : memref<1x1x512xi32, #tpu.memory_space<vmem>> -> memref<1x512xi32, #tpu.memory_space<vmem>>
          %dma_wait3A_415 = arith.constant 0 : i32
          %dma_wait3A_416 = tpu.memref_slice %arg3[%dma_wait3A_415, %mul3A_408] : memref<1x409600xi32, #tpu.memory_space<hbm>> -> memref<1x512xi32, #tpu.memory_space<hbm>>
          %dma_wait3A_417 = tpu.memref_slice %run_scoped3A_7[%rem3A_410] : memref<2x!tpu.dma_semaphore, #tpu.memory_space<semaphore_mem>> -> memref<1x!tpu.dma_semaphore, #tpu.memory_space<semaphore_mem>>
          %dma_wait3A_418 = tpu.memref_squeeze %dma_wait3A_417 : memref<1x!tpu.dma_semaphore, #tpu.memory_space<semaphore_mem>> -> memref<!tpu.dma_semaphore, #tpu.memory_space<semaphore_mem>>
          %dma_wait3A_419 = arith.constant 0 : i32
          %dma_wait3A_420 = arith.constant 0 : i32
          %dma_wait3A_421 = tpu.memref_slice %run_scoped3A[%rem3A_410, %dma_wait3A_419, %dma_wait3A_420] : memref<2x1x512xi32, #tpu.memory_space<vmem>> -> memref<1x1x512xi32, #tpu.memory_space<vmem>>
          %dma_wait3A_422 = tpu.memref_squeeze %dma_wait3A_421 : memref<1x1x512xi32, #tpu.memory_space<vmem>> -> memref<1x512xi32, #tpu.memory_space<vmem>>
          %dma_wait3A_423 = arith.constant 0 : i32
          %dma_wait3A_424 = tpu.memref_slice %arg3[%dma_wait3A_423, %mul3A_408] : memref<1x409600xi32, #tpu.memory_space<hbm>> -> memref<1x512xi32, #tpu.memory_space<hbm>>
          tpu.wait_dma2 semaphore(%dma_wait3A_418 : memref<!tpu.dma_semaphore, #tpu.memory_space<semaphore_mem>>) src(%dma_wait3A_424 : memref<1x512xi32, #tpu.memory_space<hbm>>) dst(%dma_wait3A_422 : memref<1x512xi32, #tpu.memory_space<vmem>>)
          "tpu.trace_stop"() : () -> ()
        } else {
        }
        %ne3A_185 = arith.cmpi ne, %add3A_131, %add3A_140 : i32
        %or3A_186 = arith.constant false
        %or3A_187 = arith.ori %or3A_186, %ne3A_185 : i1
        %or3A_188 = arith.constant false
        %or3A_189 = arith.ori %or3A_187, %or3A_188 : i1
        %or3A_190 = arith.ori %or3A_189, %eq3A_128 : i1
        %convert_element_type3A_191 = arith.extui %or3A_190 : i1 to i32
        %cond3A_192 = arith.constant 0 : i32
        %cond3A_193 = arith.cmpi ne, %convert_element_type3A_191, %cond3A_192 : i32
        scf.if %cond3A_193 {
        } else {
        }
        %rem3A_194 = arith.constant 2 : i32
        %rem3A_195 = arith.remui %scan3A_123, %rem3A_194 : i32
        %rem3A_196 = arith.constant 2 : i32
        %rem3A_197 = arith.remui %scan3A_124, %rem3A_196 : i32
        %dma_start3A_198 = arith.constant 0 : i32
        "tpu.trace_start"() <{level = 10 : i32, message = "ep_run_kernel"}> : () -> ()
        %dma_start3A_199 = arith.constant 0 : i32
        %dma_start3A_200 = arith.constant 0 : i32
        %dma_start3A_201 = tpu.memref_slice %run_scoped3A_8[%rem3A_197, %dma_start3A_199, %dma_start3A_200] : memref<2x512x32xf32, #tpu.memory_space<vmem>> -> memref<1x512x32xf32, #tpu.memory_space<vmem>>
        %dma_start3A_202 = tpu.memref_squeeze %dma_start3A_201 : memref<1x512x32xf32, #tpu.memory_space<vmem>> -> memref<512x32xf32, #tpu.memory_space<vmem>>
        %dma_start3A_203 = arith.constant 0 : i32
        %dma_start3A_204 = arith.constant 0 : i32
        %dma_start3A_205 = tpu.memref_slice %dma_start3A_202[%dma_start3A_203, %dma_start3A_204] : memref<512x32xf32, #tpu.memory_space<vmem>> -> memref<128x32xf32, #tpu.memory_space<vmem>>
        %dma_start3A_206 = arith.constant 0 : i32
        %dma_start3A_207 = arith.constant 0 : i32
        %dma_start3A_208 = tpu.memref_slice %run_scoped3A[%rem3A_195, %dma_start3A_206, %dma_start3A_207] : memref<2x1x512xi32, #tpu.memory_space<vmem>> -> memref<1x1x512xi32, #tpu.memory_space<vmem>>
        %dma_start3A_209 = tpu.memref_squeeze %dma_start3A_208 : memref<1x1x512xi32, #tpu.memory_space<vmem>> -> memref<1x512xi32, #tpu.memory_space<vmem>>
        %dma_start3A_210 = arith.constant 0 : i32
        %dma_start3A_211 = tpu.memref_slice %dma_start3A_209[%dma_start3A_198, %dma_start3A_210] : memref<1x512xi32, #tpu.memory_space<vmem>> -> memref<1x128xi32, #tpu.memory_space<vmem>>
        %dma_start3A_212 = tpu.memref_squeeze %dma_start3A_211 : memref<1x128xi32, #tpu.memory_space<vmem>> -> memref<128xi32, #tpu.memory_space<vmem>>
        %dma_start3A_213 = arith.constant 0 : i32
        %dma_start3A_214 = arith.constant 0 : i32
        %dma_start3A_215 = tpu.memref_slice %arg2[%dma_start3A_213, %dma_start3A_214] : memref<50000x32xf32, #tpu.memory_space<hbm>> -> memref<50000x32xf32, #tpu.memory_space<hbm>>
        tpu.enqueue_indirect_dma source(%dma_start3A_215 : memref<50000x32xf32, #tpu.memory_space<hbm>>) target(%dma_start3A_205 : memref<128x32xf32, #tpu.memory_space<vmem>>) offsets(%dma_start3A_212 : memref<128xi32, #tpu.memory_space<vmem>>) semaphore(%arg5 : memref<!tpu.dma_semaphore, #tpu.memory_space<semaphore_mem>>)
        %dma_start3A_216 = arith.constant 0 : i32
        %dma_start3A_217 = arith.constant 0 : i32
        %dma_start3A_218 = arith.constant 0 : i32
        %dma_start3A_219 = tpu.memref_slice %run_scoped3A_8[%rem3A_197, %dma_start3A_217, %dma_start3A_218] : memref<2x512x32xf32, #tpu.memory_space<vmem>> -> memref<1x512x32xf32, #tpu.memory_space<vmem>>
        %dma_start3A_220 = tpu.memref_squeeze %dma_start3A_219 : memref<1x512x32xf32, #tpu.memory_space<vmem>> -> memref<512x32xf32, #tpu.memory_space<vmem>>
        %dma_start3A_221 = arith.constant 128 : i32
        %dma_start3A_222 = arith.constant 0 : i32
        %dma_start3A_223 = tpu.memref_slice %dma_start3A_220[%dma_start3A_221, %dma_start3A_222] : memref<512x32xf32, #tpu.memory_space<vmem>> -> memref<128x32xf32, #tpu.memory_space<vmem>>
        %dma_start3A_224 = arith.constant 0 : i32
        %dma_start3A_225 = arith.constant 0 : i32
        %dma_start3A_226 = tpu.memref_slice %run_scoped3A[%rem3A_195, %dma_start3A_224, %dma_start3A_225] : memref<2x1x512xi32, #tpu.memory_space<vmem>> -> memref<1x1x512xi32, #tpu.memory_space<vmem>>
        %dma_start3A_227 = tpu.memref_squeeze %dma_start3A_226 : memref<1x1x512xi32, #tpu.memory_space<vmem>> -> memref<1x512xi32, #tpu.memory_space<vmem>>
        %dma_start3A_228 = arith.constant 128 : i32
        %dma_start3A_229 = tpu.memref_slice %dma_start3A_227[%dma_start3A_216, %dma_start3A_228] : memref<1x512xi32, #tpu.memory_space<vmem>> -> memref<1x128xi32, #tpu.memory_space<vmem>>
        %dma_start3A_230 = tpu.memref_squeeze %dma_start3A_229 : memref<1x128xi32, #tpu.memory_space<vmem>> -> memref<128xi32, #tpu.memory_space<vmem>>
        %dma_start3A_231 = arith.constant 0 : i32
        %dma_start3A_232 = arith.constant 0 : i32
        %dma_start3A_233 = tpu.memref_slice %arg2[%dma_start3A_231, %dma_start3A_232] : memref<50000x32xf32, #tpu.memory_space<hbm>> -> memref<50000x32xf32, #tpu.memory_space<hbm>>
        tpu.enqueue_indirect_dma source(%dma_start3A_233 : memref<50000x32xf32, #tpu.memory_space<hbm>>) target(%dma_start3A_223 : memref<128x32xf32, #tpu.memory_space<vmem>>) offsets(%dma_start3A_230 : memref<128xi32, #tpu.memory_space<vmem>>) semaphore(%arg6 : memref<!tpu.dma_semaphore, #tpu.memory_space<semaphore_mem>>)
        %dma_start3A_234 = arith.constant 0 : i32
        %dma_start3A_235 = arith.constant 0 : i32
        %dma_start3A_236 = arith.constant 0 : i32
        %dma_start3A_237 = tpu.memref_slice %run_scoped3A_8[%rem3A_197, %dma_start3A_235, %dma_start3A_236] : memref<2x512x32xf32, #tpu.memory_space<vmem>> -> memref<1x512x32xf32, #tpu.memory_space<vmem>>
        %dma_start3A_238 = tpu.memref_squeeze %dma_start3A_237 : memref<1x512x32xf32, #tpu.memory_space<vmem>> -> memref<512x32xf32, #tpu.memory_space<vmem>>
        %dma_start3A_239 = arith.constant 256 : i32
        %dma_start3A_240 = arith.constant 0 : i32
        %dma_start3A_241 = tpu.memref_slice %dma_start3A_238[%dma_start3A_239, %dma_start3A_240] : memref<512x32xf32, #tpu.memory_space<vmem>> -> memref<128x32xf32, #tpu.memory_space<vmem>>
        %dma_start3A_242 = arith.constant 0 : i32
        %dma_start3A_243 = arith.constant 0 : i32
        %dma_start3A_244 = tpu.memref_slice %run_scoped3A[%rem3A_195, %dma_start3A_242, %dma_start3A_243] : memref<2x1x512xi32, #tpu.memory_space<vmem>> -> memref<1x1x512xi32, #tpu.memory_space<vmem>>
        %dma_start3A_245 = tpu.memref_squeeze %dma_start3A_244 : memref<1x1x512xi32, #tpu.memory_space<vmem>> -> memref<1x512xi32, #tpu.memory_space<vmem>>
        %dma_start3A_246 = arith.constant 256 : i32
        %dma_start3A_247 = tpu.memref_slice %dma_start3A_245[%dma_start3A_234, %dma_start3A_246] : memref<1x512xi32, #tpu.memory_space<vmem>> -> memref<1x128xi32, #tpu.memory_space<vmem>>
        %dma_start3A_248 = tpu.memref_squeeze %dma_start3A_247 : memref<1x128xi32, #tpu.memory_space<vmem>> -> memref<128xi32, #tpu.memory_space<vmem>>
        %dma_start3A_249 = arith.constant 0 : i32
        %dma_start3A_250 = arith.constant 0 : i32
        %dma_start3A_251 = tpu.memref_slice %arg2[%dma_start3A_249, %dma_start3A_250] : memref<50000x32xf32, #tpu.memory_space<hbm>> -> memref<50000x32xf32, #tpu.memory_space<hbm>>
        tpu.enqueue_indirect_dma source(%dma_start3A_251 : memref<50000x32xf32, #tpu.memory_space<hbm>>) target(%dma_start3A_241 : memref<128x32xf32, #tpu.memory_space<vmem>>) offsets(%dma_start3A_248 : memref<128xi32, #tpu.memory_space<vmem>>) semaphore(%arg7 : memref<!tpu.dma_semaphore, #tpu.memory_space<semaphore_mem>>)
        %dma_start3A_252 = arith.constant 0 : i32
        %dma_start3A_253 = arith.constant 0 : i32
        %dma_start3A_254 = arith.constant 0 : i32
        %dma_start3A_255 = tpu.memref_slice %run_scoped3A_8[%rem3A_197, %dma_start3A_253, %dma_start3A_254] : memref<2x512x32xf32, #tpu.memory_space<vmem>> -> memref<1x512x32xf32, #tpu.memory_space<vmem>>
        %dma_start3A_256 = tpu.memref_squeeze %dma_start3A_255 : memref<1x512x32xf32, #tpu.memory_space<vmem>> -> memref<512x32xf32, #tpu.memory_space<vmem>>
        %dma_start3A_257 = arith.constant 384 : i32
        %dma_start3A_258 = arith.constant 0 : i32
        %dma_start3A_259 = tpu.memref_slice %dma_start3A_256[%dma_start3A_257, %dma_start3A_258] : memref<512x32xf32, #tpu.memory_space<vmem>> -> memref<128x32xf32, #tpu.memory_space<vmem>>
        %dma_start3A_260 = arith.constant 0 : i32
        %dma_start3A_261 = arith.constant 0 : i32
        %dma_start3A_262 = tpu.memref_slice %run_scoped3A[%rem3A_195, %dma_start3A_260, %dma_start3A_261] : memref<2x1x512xi32, #tpu.memory_space<vmem>> -> memref<1x1x512xi32, #tpu.memory_space<vmem>>
        %dma_start3A_263 = tpu.memref_squeeze %dma_start3A_262 : memref<1x1x512xi32, #tpu.memory_space<vmem>> -> memref<1x512xi32, #tpu.memory_space<vmem>>
        %dma_start3A_264 = arith.constant 384 : i32
        %dma_start3A_265 = tpu.memref_slice %dma_start3A_263[%dma_start3A_252, %dma_start3A_264] : memref<1x512xi32, #tpu.memory_space<vmem>> -> memref<1x128xi32, #tpu.memory_space<vmem>>
        %dma_start3A_266 = tpu.memref_squeeze %dma_start3A_265 : memref<1x128xi32, #tpu.memory_space<vmem>> -> memref<128xi32, #tpu.memory_space<vmem>>
        %dma_start3A_267 = arith.constant 0 : i32
        %dma_start3A_268 = arith.constant 0 : i32
        %dma_start3A_269 = tpu.memref_slice %arg2[%dma_start3A_267, %dma_start3A_268] : memref<50000x32xf32, #tpu.memory_space<hbm>> -> memref<50000x32xf32, #tpu.memory_space<hbm>>
        tpu.enqueue_indirect_dma source(%dma_start3A_269 : memref<50000x32xf32, #tpu.memory_space<hbm>>) target(%dma_start3A_259 : memref<128x32xf32, #tpu.memory_space<vmem>>) offsets(%dma_start3A_266 : memref<128xi32, #tpu.memory_space<vmem>>) semaphore(%arg8 : memref<!tpu.dma_semaphore, #tpu.memory_space<semaphore_mem>>)
        %dma_wait3A_270 = arith.constant 0 : i32
        %dma_wait3A_271 = arith.constant 0 : i32
        %dma_wait3A_272 = arith.constant 0 : i32
        %dma_wait3A_273 = tpu.memref_slice %run_scoped3A_8[%rem3A_197, %dma_wait3A_271, %dma_wait3A_272] : memref<2x512x32xf32, #tpu.memory_space<vmem>> -> memref<1x512x32xf32, #tpu.memory_space<vmem>>
        %dma_wait3A_274 = tpu.memref_squeeze %dma_wait3A_273 : memref<1x512x32xf32, #tpu.memory_space<vmem>> -> memref<512x32xf32, #tpu.memory_space<vmem>>
        %dma_wait3A_275 = arith.constant 0 : i32
        %dma_wait3A_276 = arith.constant 0 : i32
        %dma_wait3A_277 = tpu.memref_slice %dma_wait3A_274[%dma_wait3A_275, %dma_wait3A_276] : memref<512x32xf32, #tpu.memory_space<vmem>> -> memref<128x32xf32, #tpu.memory_space<vmem>>
        %dma_wait3A_278 = arith.constant 0 : i32
        %dma_wait3A_279 = arith.constant 0 : i32
        %dma_wait3A_280 = tpu.memref_slice %run_scoped3A[%rem3A_195, %dma_wait3A_278, %dma_wait3A_279] : memref<2x1x512xi32, #tpu.memory_space<vmem>> -> memref<1x1x512xi32, #tpu.memory_space<vmem>>
        %dma_wait3A_281 = tpu.memref_squeeze %dma_wait3A_280 : memref<1x1x512xi32, #tpu.memory_space<vmem>> -> memref<1x512xi32, #tpu.memory_space<vmem>>
        %dma_wait3A_282 = arith.constant 0 : i32
        %dma_wait3A_283 = tpu.memref_slice %dma_wait3A_281[%dma_wait3A_270, %dma_wait3A_282] : memref<1x512xi32, #tpu.memory_space<vmem>> -> memref<1x128xi32, #tpu.memory_space<vmem>>
        %dma_wait3A_284 = tpu.memref_squeeze %dma_wait3A_283 : memref<1x128xi32, #tpu.memory_space<vmem>> -> memref<128xi32, #tpu.memory_space<vmem>>
        %dma_wait3A_285 = arith.constant 0 : i32
        %dma_wait3A_286 = arith.constant 0 : i32
        %dma_wait3A_287 = tpu.memref_slice %arg2[%dma_wait3A_285, %dma_wait3A_286] : memref<50000x32xf32, #tpu.memory_space<hbm>> -> memref<50000x32xf32, #tpu.memory_space<hbm>>
        tpu.wait_indirect_dma semaphore(%arg5 : memref<!tpu.dma_semaphore, #tpu.memory_space<semaphore_mem>>) src(%dma_wait3A_287 : memref<50000x32xf32, #tpu.memory_space<hbm>>) dst(%dma_wait3A_277 : memref<128x32xf32, #tpu.memory_space<vmem>>)
        %dma_wait3A_288 = arith.constant 0 : i32
        %dma_wait3A_289 = arith.constant 0 : i32
        %dma_wait3A_290 = arith.constant 0 : i32
        %dma_wait3A_291 = tpu.memref_slice %run_scoped3A_8[%rem3A_197, %dma_wait3A_289, %dma_wait3A_290] : memref<2x512x32xf32, #tpu.memory_space<vmem>> -> memref<1x512x32xf32, #tpu.memory_space<vmem>>
        %dma_wait3A_292 = tpu.memref_squeeze %dma_wait3A_291 : memref<1x512x32xf32, #tpu.memory_space<vmem>> -> memref<512x32xf32, #tpu.memory_space<vmem>>
        %dma_wait3A_293 = arith.constant 128 : i32
        %dma_wait3A_294 = arith.constant 0 : i32
        %dma_wait3A_295 = tpu.memref_slice %dma_wait3A_292[%dma_wait3A_293, %dma_wait3A_294] : memref<512x32xf32, #tpu.memory_space<vmem>> -> memref<128x32xf32, #tpu.memory_space<vmem>>
        %dma_wait3A_296 = arith.constant 0 : i32
        %dma_wait3A_297 = arith.constant 0 : i32
        %dma_wait3A_298 = tpu.memref_slice %run_scoped3A[%rem3A_195, %dma_wait3A_296, %dma_wait3A_297] : memref<2x1x512xi32, #tpu.memory_space<vmem>> -> memref<1x1x512xi32, #tpu.memory_space<vmem>>
        %dma_wait3A_299 = tpu.memref_squeeze %dma_wait3A_298 : memref<1x1x512xi32, #tpu.memory_space<vmem>> -> memref<1x512xi32, #tpu.memory_space<vmem>>
        %dma_wait3A_300 = arith.constant 128 : i32
        %dma_wait3A_301 = tpu.memref_slice %dma_wait3A_299[%dma_wait3A_288, %dma_wait3A_300] : memref<1x512xi32, #tpu.memory_space<vmem>> -> memref<1x128xi32, #tpu.memory_space<vmem>>
        %dma_wait3A_302 = tpu.memref_squeeze %dma_wait3A_301 : memref<1x128xi32, #tpu.memory_space<vmem>> -> memref<128xi32, #tpu.memory_space<vmem>>
        %dma_wait3A_303 = arith.constant 0 : i32
        %dma_wait3A_304 = arith.constant 0 : i32
        %dma_wait3A_305 = tpu.memref_slice %arg2[%dma_wait3A_303, %dma_wait3A_304] : memref<50000x32xf32, #tpu.memory_space<hbm>> -> memref<50000x32xf32, #tpu.memory_space<hbm>>
        tpu.wait_indirect_dma semaphore(%arg6 : memref<!tpu.dma_semaphore, #tpu.memory_space<semaphore_mem>>) src(%dma_wait3A_305 : memref<50000x32xf32, #tpu.memory_space<hbm>>) dst(%dma_wait3A_295 : memref<128x32xf32, #tpu.memory_space<vmem>>)
        %dma_wait3A_306 = arith.constant 0 : i32
        %dma_wait3A_307 = arith.constant 0 : i32
        %dma_wait3A_308 = arith.constant 0 : i32
        %dma_wait3A_309 = tpu.memref_slice %run_scoped3A_8[%rem3A_197, %dma_wait3A_307, %dma_wait3A_308] : memref<2x512x32xf32, #tpu.memory_space<vmem>> -> memref<1x512x32xf32, #tpu.memory_space<vmem>>
        %dma_wait3A_310 = tpu.memref_squeeze %dma_wait3A_309 : memref<1x512x32xf32, #tpu.memory_space<vmem>> -> memref<512x32xf32, #tpu.memory_space<vmem>>
        %dma_wait3A_311 = arith.constant 256 : i32
        %dma_wait3A_312 = arith.constant 0 : i32
        %dma_wait3A_313 = tpu.memref_slice %dma_wait3A_310[%dma_wait3A_311, %dma_wait3A_312] : memref<512x32xf32, #tpu.memory_space<vmem>> -> memref<128x32xf32, #tpu.memory_space<vmem>>
        %dma_wait3A_314 = arith.constant 0 : i32
        %dma_wait3A_315 = arith.constant 0 : i32
        %dma_wait3A_316 = tpu.memref_slice %run_scoped3A[%rem3A_195, %dma_wait3A_314, %dma_wait3A_315] : memref<2x1x512xi32, #tpu.memory_space<vmem>> -> memref<1x1x512xi32, #tpu.memory_space<vmem>>
        %dma_wait3A_317 = tpu.memref_squeeze %dma_wait3A_316 : memref<1x1x512xi32, #tpu.memory_space<vmem>> -> memref<1x512xi32, #tpu.memory_space<vmem>>
        %dma_wait3A_318 = arith.constant 256 : i32
        %dma_wait3A_319 = tpu.memref_slice %dma_wait3A_317[%dma_wait3A_306, %dma_wait3A_318] : memref<1x512xi32, #tpu.memory_space<vmem>> -> memref<1x128xi32, #tpu.memory_space<vmem>>
        %dma_wait3A_320 = tpu.memref_squeeze %dma_wait3A_319 : memref<1x128xi32, #tpu.memory_space<vmem>> -> memref<128xi32, #tpu.memory_space<vmem>>
        %dma_wait3A_321 = arith.constant 0 : i32
        %dma_wait3A_322 = arith.constant 0 : i32
        %dma_wait3A_323 = tpu.memref_slice %arg2[%dma_wait3A_321, %dma_wait3A_322] : memref<50000x32xf32, #tpu.memory_space<hbm>> -> memref<50000x32xf32, #tpu.memory_space<hbm>>
        tpu.wait_indirect_dma semaphore(%arg7 : memref<!tpu.dma_semaphore, #tpu.memory_space<semaphore_mem>>) src(%dma_wait3A_323 : memref<50000x32xf32, #tpu.memory_space<hbm>>) dst(%dma_wait3A_313 : memref<128x32xf32, #tpu.memory_space<vmem>>)
        %dma_wait3A_324 = arith.constant 0 : i32
        %dma_wait3A_325 = arith.constant 0 : i32
        %dma_wait3A_326 = arith.constant 0 : i32
        %dma_wait3A_327 = tpu.memref_slice %run_scoped3A_8[%rem3A_197, %dma_wait3A_325, %dma_wait3A_326] : memref<2x512x32xf32, #tpu.memory_space<vmem>> -> memref<1x512x32xf32, #tpu.memory_space<vmem>>
        %dma_wait3A_328 = tpu.memref_squeeze %dma_wait3A_327 : memref<1x512x32xf32, #tpu.memory_space<vmem>> -> memref<512x32xf32, #tpu.memory_space<vmem>>
        %dma_wait3A_329 = arith.constant 384 : i32
        %dma_wait3A_330 = arith.constant 0 : i32
        %dma_wait3A_331 = tpu.memref_slice %dma_wait3A_328[%dma_wait3A_329, %dma_wait3A_330] : memref<512x32xf32, #tpu.memory_space<vmem>> -> memref<128x32xf32, #tpu.memory_space<vmem>>
        %dma_wait3A_332 = arith.constant 0 : i32
        %dma_wait3A_333 = arith.constant 0 : i32
        %dma_wait3A_334 = tpu.memref_slice %run_scoped3A[%rem3A_195, %dma_wait3A_332, %dma_wait3A_333] : memref<2x1x512xi32, #tpu.memory_space<vmem>> -> memref<1x1x512xi32, #tpu.memory_space<vmem>>
        %dma_wait3A_335 = tpu.memref_squeeze %dma_wait3A_334 : memref<1x1x512xi32, #tpu.memory_space<vmem>> -> memref<1x512xi32, #tpu.memory_space<vmem>>
        %dma_wait3A_336 = arith.constant 384 : i32
        %dma_wait3A_337 = tpu.memref_slice %dma_wait3A_335[%dma_wait3A_324, %dma_wait3A_336] : memref<1x512xi32, #tpu.memory_space<vmem>> -> memref<1x128xi32, #tpu.memory_space<vmem>>
        %dma_wait3A_338 = tpu.memref_squeeze %dma_wait3A_337 : memref<1x128xi32, #tpu.memory_space<vmem>> -> memref<128xi32, #tpu.memory_space<vmem>>
        %dma_wait3A_339 = arith.constant 0 : i32
        %dma_wait3A_340 = arith.constant 0 : i32
        %dma_wait3A_341 = tpu.memref_slice %arg2[%dma_wait3A_339, %dma_wait3A_340] : memref<50000x32xf32, #tpu.memory_space<hbm>> -> memref<50000x32xf32, #tpu.memory_space<hbm>>
        tpu.wait_indirect_dma semaphore(%arg8 : memref<!tpu.dma_semaphore, #tpu.memory_space<semaphore_mem>>) src(%dma_wait3A_341 : memref<50000x32xf32, #tpu.memory_space<hbm>>) dst(%dma_wait3A_331 : memref<128x32xf32, #tpu.memory_space<vmem>>)
        "tpu.trace_stop"() : () -> ()
        %ne3A_342 = arith.cmpi ne, %add3A_131, %add3A_149 : i32
        %or3A_343 = arith.constant false
        %or3A_344 = arith.ori %or3A_343, %ne3A_342 : i1
        %or3A_345 = arith.ori %or3A_344, %eq3A_130 : i1
        %convert_element_type3A_346 = arith.extui %or3A_345 : i1 to i32
        %cond3A_347 = arith.constant 0 : i32
        %cond3A_348 = arith.cmpi ne, %convert_element_type3A_346, %cond3A_347 : i32
        scf.if %cond3A_348 {
        } else {
        }
        %and3A_349 = arith.constant false
        %and3A_350 = arith.andi %or3A_345, %and3A_349 : i1
        %ne3A_351 = arith.cmpi ne, %add3A_131, %add3A_149 : i32
        %or3A_352 = arith.constant false
        %or3A_353 = arith.ori %or3A_352, %ne3A_351 : i1
        %or3A_354 = arith.constant false
        %or3A_355 = arith.ori %or3A_353, %or3A_354 : i1
        %or3A_356 = arith.ori %or3A_355, %eq3A_130 : i1
        %convert_element_type3A_357 = arith.extui %or3A_356 : i1 to i32
        %cond3A_358 = arith.constant 0 : i32
        %cond3A_359 = arith.cmpi ne, %convert_element_type3A_357, %cond3A_358 : i32
        scf.if %cond3A_359 {
          "tpu.trace_start"() <{level = 10 : i32, message = "ep_copy_out"}> : () -> ()
          %rem3A_407 = arith.constant 2 : i32
          %rem3A_408 = arith.remui %scan3A_124, %rem3A_407 : i32
          %mul3A_409 = arith.constant 512 : i32
          %mul3A_410 = arith.muli %mul3A_409, %add3A_131 : i32
          %dma_start3A_411 = arith.constant 0 : i32
          %dma_start3A_412 = arith.constant 0 : i32
          %dma_start3A_413 = tpu.memref_slice %run_scoped3A_8[%rem3A_408, %dma_start3A_411, %dma_start3A_412] : memref<2x512x32xf32, #tpu.memory_space<vmem>> -> memref<1x512x32xf32, #tpu.memory_space<vmem>>
          %dma_start3A_414 = tpu.memref_squeeze %dma_start3A_413 : memref<1x512x32xf32, #tpu.memory_space<vmem>> -> memref<512x32xf32, #tpu.memory_space<vmem>>
          %dma_start3A_415 = arith.constant 0 : i32
          %dma_start3A_416 = tpu.memref_slice %arg4[%mul3A_410, %dma_start3A_415] : memref<409600x32xf32, #tpu.memory_space<hbm>> -> memref<512x32xf32, #tpu.memory_space<hbm>>
          %dma_start3A_417 = tpu.memref_slice %run_scoped3A_9[%rem3A_408] : memref<2x!tpu.dma_semaphore, #tpu.memory_space<semaphore_mem>> -> memref<1x!tpu.dma_semaphore, #tpu.memory_space<semaphore_mem>>
          %dma_start3A_418 = tpu.memref_squeeze %dma_start3A_417 : memref<1x!tpu.dma_semaphore, #tpu.memory_space<semaphore_mem>> -> memref<!tpu.dma_semaphore, #tpu.memory_space<semaphore_mem>>
          %dma_start3A_419 = arith.constant 0 : i32
          %dma_start3A_420 = tpu.memref_slice %arg4[%mul3A_410, %dma_start3A_419] : memref<409600x32xf32, #tpu.memory_space<hbm>> -> memref<512x32xf32, #tpu.memory_space<hbm>>
          %dma_start3A_421 = arith.constant 0 : i32
          %dma_start3A_422 = arith.constant 0 : i32
          %dma_start3A_423 = tpu.memref_slice %run_scoped3A_8[%rem3A_408, %dma_start3A_421, %dma_start3A_422] : memref<2x512x32xf32, #tpu.memory_space<vmem>> -> memref<1x512x32xf32, #tpu.memory_space<vmem>>
          %dma_start3A_424 = tpu.memref_squeeze %dma_start3A_423 : memref<1x512x32xf32, #tpu.memory_space<vmem>> -> memref<512x32xf32, #tpu.memory_space<vmem>>
          tpu.enqueue_dma source(%dma_start3A_424 : memref<512x32xf32, #tpu.memory_space<vmem>>) target(%dma_start3A_420 : memref<512x32xf32, #tpu.memory_space<hbm>>) target_semaphore(%dma_start3A_418 : memref<!tpu.dma_semaphore, #tpu.memory_space<semaphore_mem>>)
          "tpu.trace_stop"() : () -> ()
        } else {
        }
        %and3A_360 = arith.constant true
        %and3A_361 = arith.andi %or3A_356, %and3A_360 : i1
        %add3A_362 = arith.constant 1 : i32
        %add3A_363 = arith.addi %scan3A_124, %add3A_362 : i32
        %select_n3A_364 = arith.select %and3A_361, %add3A_363, %scan3A_124 : i32
        %ne3A_365 = arith.cmpi ne, %add3A_131, %add3A_140 : i32
        %or3A_366 = arith.constant false
        %or3A_367 = arith.ori %or3A_366, %ne3A_365 : i1
        %not3A_368 = arith.constant true
        %not3A_369 = arith.xori %eq3A_128, %not3A_368 : i1
        %and3A_370 = arith.andi %or3A_367, %not3A_369 : i1
        %convert_element_type3A_371 = arith.extui %and3A_370 : i1 to i32
        %cond3A_372 = arith.constant 0 : i32
        %cond3A_373 = arith.cmpi ne, %convert_element_type3A_371, %cond3A_372 : i32
        scf.if %cond3A_373 {
        } else {
        }
        %and3A_374 = arith.constant false
        %and3A_375 = arith.andi %and3A_370, %and3A_374 : i1
        %ne3A_376 = arith.cmpi ne, %add3A_131, %add3A_140 : i32
        %or3A_377 = arith.constant false
        %or3A_378 = arith.ori %or3A_377, %ne3A_376 : i1
        %or3A_379 = arith.constant false
        %or3A_380 = arith.ori %or3A_378, %or3A_379 : i1
        %not3A_381 = arith.constant true
        %not3A_382 = arith.xori %eq3A_128, %not3A_381 : i1
        %and3A_383 = arith.andi %or3A_380, %not3A_382 : i1
        %convert_element_type3A_384 = arith.extui %and3A_383 : i1 to i32
        %cond3A_385 = arith.constant 0 : i32
        %cond3A_386 = arith.cmpi ne, %convert_element_type3A_384, %cond3A_385 : i32
        scf.if %cond3A_386 {
          "tpu.trace_start"() <{level = 10 : i32, message = "ep_wait_out"}> : () -> ()
          %rem3A_407 = arith.constant 2 : i32
          %rem3A_408 = arith.remui %scan3A_125, %rem3A_407 : i32
          %mul3A_409 = arith.constant 512 : i32
          %mul3A_410 = arith.muli %mul3A_409, %add3A_140 : i32
          %dma_wait3A_411 = arith.constant 0 : i32
          %dma_wait3A_412 = arith.constant 0 : i32
          %dma_wait3A_413 = tpu.memref_slice %run_scoped3A_8[%rem3A_408, %dma_wait3A_411, %dma_wait3A_412] : memref<2x512x32xf32, #tpu.memory_space<vmem>> -> memref<1x512x32xf32, #tpu.memory_space<vmem>>
          %dma_wait3A_414 = tpu.memref_squeeze %dma_wait3A_413 : memref<1x512x32xf32, #tpu.memory_space<vmem>> -> memref<512x32xf32, #tpu.memory_space<vmem>>
          %dma_wait3A_415 = arith.constant 0 : i32
          %dma_wait3A_416 = tpu.memref_slice %arg4[%mul3A_410, %dma_wait3A_415] : memref<409600x32xf32, #tpu.memory_space<hbm>> -> memref<512x32xf32, #tpu.memory_space<hbm>>
          %dma_wait3A_417 = tpu.memref_slice %run_scoped3A_9[%rem3A_408] : memref<2x!tpu.dma_semaphore, #tpu.memory_space<semaphore_mem>> -> memref<1x!tpu.dma_semaphore, #tpu.memory_space<semaphore_mem>>
          %dma_wait3A_418 = tpu.memref_squeeze %dma_wait3A_417 : memref<1x!tpu.dma_semaphore, #tpu.memory_space<semaphore_mem>> -> memref<!tpu.dma_semaphore, #tpu.memory_space<semaphore_mem>>
          %dma_wait3A_419 = arith.constant 0 : i32
          %dma_wait3A_420 = tpu.memref_slice %arg4[%mul3A_410, %dma_wait3A_419] : memref<409600x32xf32, #tpu.memory_space<hbm>> -> memref<512x32xf32, #tpu.memory_space<hbm>>
          %dma_wait3A_421 = arith.constant 0 : i32
          %dma_wait3A_422 = arith.constant 0 : i32
          %dma_wait3A_423 = tpu.memref_slice %run_scoped3A_8[%rem3A_408, %dma_wait3A_421, %dma_wait3A_422] : memref<2x512x32xf32, #tpu.memory_space<vmem>> -> memref<1x512x32xf32, #tpu.memory_space<vmem>>
          %dma_wait3A_424 = tpu.memref_squeeze %dma_wait3A_423 : memref<1x512x32xf32, #tpu.memory_space<vmem>> -> memref<512x32xf32, #tpu.memory_space<vmem>>
          tpu.wait_dma2 semaphore(%dma_wait3A_418 : memref<!tpu.dma_semaphore, #tpu.memory_space<semaphore_mem>>) src(%dma_wait3A_424 : memref<512x32xf32, #tpu.memory_space<vmem>>) dst(%dma_wait3A_420 : memref<512x32xf32, #tpu.memory_space<hbm>>)
          "tpu.trace_stop"() : () -> ()
        } else {
        }
        %and3A_387 = arith.constant true
        %and3A_388 = arith.andi %and3A_383, %and3A_387 : i1
        %add3A_389 = arith.constant 1 : i32
        %add3A_390 = arith.addi %scan3A_125, %add3A_389 : i32
        %select_n3A_391 = arith.select %and3A_388, %add3A_390, %scan3A_125 : i32
        %ne3A_392 = arith.cmpi ne, %add3A_131, %add3A_149 : i32
        %or3A_393 = arith.constant false
        %or3A_394 = arith.ori %or3A_393, %ne3A_392 : i1
        %or3A_395 = arith.ori %or3A_394, %eq3A_130 : i1
        %add3A_396 = arith.constant 1 : i32
        %add3A_397 = arith.addi %scan3A_123, %add3A_396 : i32
        %select_n3A_398 = arith.select %or3A_395, %add3A_397, %scan3A_123 : i32
        %add3A_399 = arith.constant 1 : i32
        %add3A_400 = arith.addi %scan3A_126, %add3A_399 : i32
        %select_n3A_401 = arith.constant true
        %select_n3A_402 = arith.select %select_n3A_401, %add3A_400, %scan3A_126 : i32
        %eq3A_403 = arith.constant 25 : i32
        %eq3A_404 = arith.cmpi eq, %select_n3A_402, %eq3A_403 : i32
        %select_n3A_405 = arith.constant 0 : i32
        %select_n3A_406 = arith.select %eq3A_404, %select_n3A_405, %select_n3A_402 : i32
        scf.yield %select_n3A_167, %select_n3A_398, %select_n3A_364, %select_n3A_391, %select_n3A_406 : i32, i32, i32, i32, i32
      }
      %scan3A_68 = arith.constant 25 : i32
      %sub3A = arith.constant 1 : i32
      %sub3A_69 = arith.subi %scan3A_67#4, %sub3A : i32
      %select_n3A_70 = arith.constant true
      %select_n3A_71 = arith.select %select_n3A_70, %sub3A_69, %scan3A_67#4 : i32
      %eq3A_72 = arith.constant -1 : i32
      %eq3A_73 = arith.cmpi eq, %select_n3A_71, %eq3A_72 : i32
      %select_n3A_74 = arith.constant 24 : i32
      %select_n3A_75 = arith.select %eq3A_73, %select_n3A_74, %select_n3A_71 : i32
      %add3A_76 = arith.addi %select_n3A_75, %mul3A_6 : i32
      %sub3A_77 = arith.constant 1 : i32
      %sub3A_78 = arith.subi %select_n3A_75, %sub3A_77 : i32
      %select_n3A_79 = arith.constant true
      %select_n3A_80 = arith.select %select_n3A_79, %sub3A_78, %select_n3A_75 : i32
      %eq3A_81 = arith.constant -1 : i32
      %eq3A_82 = arith.cmpi eq, %select_n3A_80, %eq3A_81 : i32
      %select_n3A_83 = arith.constant 24 : i32
      %select_n3A_84 = arith.select %eq3A_82, %select_n3A_83, %select_n3A_80 : i32
      %add3A_85 = arith.addi %select_n3A_84, %mul3A_6 : i32
      %add3A_86 = arith.constant 1 : i32
      %add3A_87 = arith.addi %select_n3A_75, %add3A_86 : i32
      %select_n3A_88 = arith.constant true
      %select_n3A_89 = arith.select %select_n3A_88, %add3A_87, %select_n3A_75 : i32
      %eq3A_90 = arith.constant 25 : i32
      %eq3A_91 = arith.cmpi eq, %select_n3A_89, %eq3A_90 : i32
      %select_n3A_92 = arith.constant 0 : i32
      %select_n3A_93 = arith.select %eq3A_91, %select_n3A_92, %select_n3A_89 : i32
      %add3A_94 = arith.addi %select_n3A_93, %mul3A_6 : i32
      %add3A_95 = arith.constant 1 : i32
      %add3A_96 = arith.addi %select_n3A_93, %add3A_95 : i32
      %select_n3A_97 = arith.constant true
      %select_n3A_98 = arith.select %select_n3A_97, %add3A_96, %select_n3A_93 : i32
      %eq3A_99 = arith.constant 25 : i32
      %eq3A_100 = arith.cmpi eq, %select_n3A_98, %eq3A_99 : i32
      %select_n3A_101 = arith.constant 0 : i32
      %select_n3A_102 = arith.select %eq3A_100, %select_n3A_101, %select_n3A_98 : i32
      %add3A_103 = arith.addi %select_n3A_102, %mul3A_6 : i32
      "tpu.trace_start"() <{level = 10 : i32, message = "ep_finalize"}> : () -> ()
      %rem3A_104 = arith.constant 2 : i32
      %rem3A_105 = arith.remui %scan3A_67#3, %rem3A_104 : i32
      %mul3A_106 = arith.constant 512 : i32
      %mul3A_107 = arith.muli %mul3A_106, %add3A_76 : i32
      %dma_wait3A = arith.constant 0 : i32
      %dma_wait3A_108 = arith.constant 0 : i32
      %dma_wait3A_109 = tpu.memref_slice %run_scoped3A_8[%rem3A_105, %dma_wait3A, %dma_wait3A_108] : memref<2x512x32xf32, #tpu.memory_space<vmem>> -> memref<1x512x32xf32, #tpu.memory_space<vmem>>
      %dma_wait3A_110 = tpu.memref_squeeze %dma_wait3A_109 : memref<1x512x32xf32, #tpu.memory_space<vmem>> -> memref<512x32xf32, #tpu.memory_space<vmem>>
      %dma_wait3A_111 = arith.constant 0 : i32
      %dma_wait3A_112 = tpu.memref_slice %arg4[%mul3A_107, %dma_wait3A_111] : memref<409600x32xf32, #tpu.memory_space<hbm>> -> memref<512x32xf32, #tpu.memory_space<hbm>>
      %dma_wait3A_113 = tpu.memref_slice %run_scoped3A_9[%rem3A_105] : memref<2x!tpu.dma_semaphore, #tpu.memory_space<semaphore_mem>> -> memref<1x!tpu.dma_semaphore, #tpu.memory_space<semaphore_mem>>
      %dma_wait3A_114 = tpu.memref_squeeze %dma_wait3A_113 : memref<1x!tpu.dma_semaphore, #tpu.memory_space<semaphore_mem>> -> memref<!tpu.dma_semaphore, #tpu.memory_space<semaphore_mem>>
      %dma_wait3A_115 = arith.constant 0 : i32
      %dma_wait3A_116 = tpu.memref_slice %arg4[%mul3A_107, %dma_wait3A_115] : memref<409600x32xf32, #tpu.memory_space<hbm>> -> memref<512x32xf32, #tpu.memory_space<hbm>>
      %dma_wait3A_117 = arith.constant 0 : i32
      %dma_wait3A_118 = arith.constant 0 : i32
      %dma_wait3A_119 = tpu.memref_slice %run_scoped3A_8[%rem3A_105, %dma_wait3A_117, %dma_wait3A_118] : memref<2x512x32xf32, #tpu.memory_space<vmem>> -> memref<1x512x32xf32, #tpu.memory_space<vmem>>
      %dma_wait3A_120 = tpu.memref_squeeze %dma_wait3A_119 : memref<1x512x32xf32, #tpu.memory_space<vmem>> -> memref<512x32xf32, #tpu.memory_space<vmem>>
      tpu.wait_dma2 semaphore(%dma_wait3A_114 : memref<!tpu.dma_semaphore, #tpu.memory_space<semaphore_mem>>) src(%dma_wait3A_120 : memref<512x32xf32, #tpu.memory_space<vmem>>) dst(%dma_wait3A_116 : memref<512x32xf32, #tpu.memory_space<hbm>>)
      "tpu.trace_stop"() : () -> ()
      tpu.yield
    }) : () -> ()
    return
  }
}

#map = affine_map<(d0, d1) -> (0, 0)>
module attributes {stable_mosaic.version = 14 : i64} {
  func.func @gather_kernel(%arg0: i32, %arg1: i32, %arg2: memref<50000x32xf32, #tpu.memory_space<hbm>>, %arg3: memref<1x409600xi32, #tpu.memory_space<hbm>>, %arg4: memref<409600x32xf32, #tpu.memory_space<hbm>>, %arg5: memref<!tpu.dma_semaphore, #tpu.memory_space<semaphore_mem>>, %arg6: memref<!tpu.dma_semaphore, #tpu.memory_space<semaphore_mem>>, %arg7: memref<!tpu.dma_semaphore, #tpu.memory_space<semaphore_mem>>, %arg8: memref<!tpu.dma_semaphore, #tpu.memory_space<semaphore_mem>>) attributes {dimension_semantics = [#tpu.dimension_semantics<core_parallel>, #tpu.dimension_semantics<subcore_parallel>], iteration_bounds = array<i64: 2, 16>, scalar_prefetch = 0 : i64, scratch_operands = 4 : i64, tpu.core_type = #tpu.core_type<sc_vector_subcore>, window_params = [{transform_indices = #map}, {transform_indices = #map}, {transform_indices = #map}]} {
    %mul3A = arith.constant 1 : i32
    %mul3A_0 = arith.muli %arg1, %mul3A : i32
    %add3A = arith.constant 0 : i32
    %add3A_1 = arith.addi %add3A, %mul3A_0 : i32
    %mul3A_2 = arith.constant 16 : i32
    %mul3A_3 = arith.muli %arg0, %mul3A_2 : i32
    %add3A_4 = arith.addi %add3A_1, %mul3A_3 : i32
    %mul3A_5 = arith.constant 25 : i32
    %mul3A_6 = arith.muli %add3A_4, %mul3A_5 : i32
    "tpu.region"() ({
      %run_scoped3A = memref.alloca() : memref<2x1x512xi32, #tpu.memory_space<vmem>>
      %run_scoped3A_7 = tpu.sem_alloc : memref<2x!tpu.dma_semaphore, #tpu.memory_space<semaphore_mem>>
      %run_scoped3A_8 = memref.alloca() : memref<2x512x32xf32, #tpu.memory_space<vmem>>
      %run_scoped3A_9 = tpu.sem_alloc : memref<2x!tpu.dma_semaphore, #tpu.memory_space<semaphore_mem>>
      %add3A_10 = arith.constant 0 : i32
      %add3A_11 = arith.addi %add3A_10, %mul3A_6 : i32
      %select_n3A = arith.constant true
      %select_n3A_12 = arith.constant 0 : i32
      %select_n3A_13 = arith.constant -1 : i32
      %select_n3A_14 = arith.select %select_n3A, %select_n3A_13, %select_n3A_12 : i32
      %eq3A = arith.constant -1 : i32
      %eq3A_15 = arith.cmpi eq, %select_n3A_14, %eq3A : i32
      %select_n3A_16 = arith.constant 24 : i32
      %select_n3A_17 = arith.select %eq3A_15, %select_n3A_16, %select_n3A_14 : i32
      %add3A_18 = arith.addi %select_n3A_17, %mul3A_6 : i32
      %select_n3A_19 = arith.constant true
      %select_n3A_20 = arith.constant 0 : i32
      %select_n3A_21 = arith.constant 1 : i32
      %select_n3A_22 = arith.select %select_n3A_19, %select_n3A_21, %select_n3A_20 : i32
      %eq3A_23 = arith.constant 25 : i32
      %eq3A_24 = arith.cmpi eq, %select_n3A_22, %eq3A_23 : i32
      %select_n3A_25 = arith.constant 0 : i32
      %select_n3A_26 = arith.select %eq3A_24, %select_n3A_25, %select_n3A_22 : i32
      %add3A_27 = arith.addi %select_n3A_26, %mul3A_6 : i32
      %add3A_28 = arith.constant 1 : i32
      %add3A_29 = arith.addi %select_n3A_26, %add3A_28 : i32
      %select_n3A_30 = arith.constant true
      %select_n3A_31 = arith.select %select_n3A_30, %add3A_29, %select_n3A_26 : i32
      %eq3A_32 = arith.constant 25 : i32
      %eq3A_33 = arith.cmpi eq, %select_n3A_31, %eq3A_32 : i32
      %select_n3A_34 = arith.constant 0 : i32
      %select_n3A_35 = arith.select %eq3A_33, %select_n3A_34, %select_n3A_31 : i32
      %add3A_36 = arith.addi %select_n3A_35, %mul3A_6 : i32
      "tpu.trace_start"() <{level = 10 : i32, message = "ep_initialize_0"}> : () -> ()
      %rem3A = arith.constant 0 : i32
      %rem3A_37 = arith.constant 2 : i32
      %rem3A_38 = arith.remui %rem3A, %rem3A_37 : i32
      %mul3A_39 = arith.constant 512 : i32
      %mul3A_40 = arith.muli %mul3A_39, %add3A_11 : i32
      %dma_start3A = arith.constant 0 : i32
      %dma_start3A_41 = arith.constant 0 : i32
      %dma_start3A_42 = tpu.memref_slice %run_scoped3A[%rem3A_38, %dma_start3A, %dma_start3A_41] : memref<2x1x512xi32, #tpu.memory_space<vmem>> -> memref<1x1x512xi32, #tpu.memory_space<vmem>>
      %dma_start3A_43 = tpu.memref_squeeze %dma_start3A_42 : memref<1x1x512xi32, #tpu.memory_space<vmem>> -> memref<1x512xi32, #tpu.memory_space<vmem>>
      %dma_start3A_44 = arith.constant 0 : i32
      %dma_start3A_45 = tpu.memref_slice %arg3[%dma_start3A_44, %mul3A_40] : memref<1x409600xi32, #tpu.memory_space<hbm>> -> memref<1x512xi32, #tpu.memory_space<hbm>>
      %dma_start3A_46 = tpu.memref_slice %run_scoped3A_7[%rem3A_38] : memref<2x!tpu.dma_semaphore, #tpu.memory_space<semaphore_mem>> -> memref<1x!tpu.dma_semaphore, #tpu.memory_space<semaphore_mem>>
      %dma_start3A_47 = tpu.memref_squeeze %dma_start3A_46 : memref<1x!tpu.dma_semaphore, #tpu.memory_space<semaphore_mem>> -> memref<!tpu.dma_semaphore, #tpu.memory_space<semaphore_mem>>
      %dma_start3A_48 = arith.constant 0 : i32
      %dma_start3A_49 = arith.constant 0 : i32
      %dma_start3A_50 = tpu.memref_slice %run_scoped3A[%rem3A_38, %dma_start3A_48, %dma_start3A_49] : memref<2x1x512xi32, #tpu.memory_space<vmem>> -> memref<1x1x512xi32, #tpu.memory_space<vmem>>
      %dma_start3A_51 = tpu.memref_squeeze %dma_start3A_50 : memref<1x1x512xi32, #tpu.memory_space<vmem>> -> memref<1x512xi32, #tpu.memory_space<vmem>>
      %dma_start3A_52 = arith.constant 0 : i32
      %dma_start3A_53 = tpu.memref_slice %arg3[%dma_start3A_52, %mul3A_40] : memref<1x409600xi32, #tpu.memory_space<hbm>> -> memref<1x512xi32, #tpu.memory_space<hbm>>
      tpu.enqueue_dma source(%dma_start3A_53 : memref<1x512xi32, #tpu.memory_space<hbm>>) target(%dma_start3A_51 : memref<1x512xi32, #tpu.memory_space<vmem>>) target_semaphore(%dma_start3A_47 : memref<!tpu.dma_semaphore, #tpu.memory_space<semaphore_mem>>)
      %add3A_54 = arith.constant 0 : i32
      %add3A_55 = arith.constant 1 : i32
      %add3A_56 = arith.addi %add3A_54, %add3A_55 : i32
      %select_n3A_57 = arith.constant true
      %select_n3A_58 = arith.constant 0 : i32
      %select_n3A_59 = arith.select %select_n3A_57, %add3A_56, %select_n3A_58 : i32
      "tpu.trace_stop"() : () -> ()
      %scan3A = arith.constant 0 : i32
      %scan3A_60 = arith.constant 0 : i32
      %scan3A_61 = arith.constant 0 : i32
      %scan3A_62 = arith.constant 0 : i32
      %scan3A_63 = arith.constant 0 : i32
      %scan3A_64 = arith.constant 25 : i32
      %scan3A_65 = arith.addi %scan3A_63, %scan3A_64 : i32
      %scan3A_66 = arith.constant 1 : i32
      %scan3A_67:5 = scf.for %scan3A_121 = %scan3A_63 to %scan3A_65 step %scan3A_66 iter_args(%scan3A_122 = %select_n3A_59, %scan3A_123 = %scan3A, %scan3A_124 = %scan3A_60, %scan3A_125 = %scan3A_61, %scan3A_126 = %scan3A_62) -> (i32, i32, i32, i32, i32)  : i32 {
        %eq3A_127 = arith.constant 0 : i32
        %eq3A_128 = arith.cmpi eq, %scan3A_121, %eq3A_127 : i32
        %eq3A_129 = arith.constant 24 : i32
        %eq3A_130 = arith.cmpi eq, %scan3A_121, %eq3A_129 : i32
        %add3A_131 = arith.addi %scan3A_126, %mul3A_6 : i32
        %sub3A_132 = arith.constant 1 : i32
        %sub3A_133 = arith.subi %scan3A_126, %sub3A_132 : i32
        %select_n3A_134 = arith.constant true
        %select_n3A_135 = arith.select %select_n3A_134, %sub3A_133, %scan3A_126 : i32
        %eq3A_136 = arith.constant -1 : i32
        %eq3A_137 = arith.cmpi eq, %select_n3A_135, %eq3A_136 : i32
        %select_n3A_138 = arith.constant 24 : i32
        %select_n3A_139 = arith.select %eq3A_137, %select_n3A_138, %select_n3A_135 : i32
        %add3A_140 = arith.addi %select_n3A_139, %mul3A_6 : i32
        %add3A_141 = arith.constant 1 : i32
        %add3A_142 = arith.addi %scan3A_126, %add3A_141 : i32
        %select_n3A_143 = arith.constant true
        %select_n3A_144 = arith.select %select_n3A_143, %add3A_142, %scan3A_126 : i32
        %eq3A_145 = arith.constant 25 : i32
        %eq3A_146 = arith.cmpi eq, %select_n3A_144, %eq3A_145 : i32
        %select_n3A_147 = arith.constant 0 : i32
        %select_n3A_148 = arith.select %eq3A_146, %select_n3A_147, %select_n3A_144 : i32
        %add3A_149 = arith.addi %select_n3A_148, %mul3A_6 : i32
        %add3A_150 = arith.constant 1 : i32
        %add3A_151 = arith.addi %select_n3A_148, %add3A_150 : i32
        %select_n3A_152 = arith.constant true
        %select_n3A_153 = arith.select %select_n3A_152, %add3A_151, %select_n3A_148 : i32
        %eq3A_154 = arith.constant 25 : i32
        %eq3A_155 = arith.cmpi eq, %select_n3A_153, %eq3A_154 : i32
        %select_n3A_156 = arith.constant 0 : i32
        %select_n3A_157 = arith.select %eq3A_155, %select_n3A_156, %select_n3A_153 : i32
        %add3A_158 = arith.addi %select_n3A_157, %mul3A_6 : i32
        %ne3A = arith.cmpi ne, %add3A_131, %add3A_149 : i32
        %or3A = arith.constant false
        %or3A_159 = arith.ori %or3A, %ne3A : i1
        %ge3A = arith.constant 24 : i32
        %ge3A_160 = arith.cmpi sge, %scan3A_121, %ge3A : i32
        %not3A = arith.constant true
        %not3A_161 = arith.xori %ge3A_160, %not3A : i1
        %and3A = arith.andi %or3A_159, %not3A_161 : i1
        %convert_element_type3A = arith.extui %and3A : i1 to i32
        %cond3A = arith.constant 0 : i32
        %cond3A_162 = arith.cmpi ne, %convert_element_type3A, %cond3A : i32
        scf.if %cond3A_162 {
          "tpu.trace_start"() <{level = 10 : i32, message = "ep_copy_in"}> : () -> ()
          %rem3A_407 = arith.constant 2 : i32
          %rem3A_408 = arith.remui %scan3A_122, %rem3A_407 : i32
          %mul3A_409 = arith.constant 512 : i32
          %mul3A_410 = arith.muli %mul3A_409, %add3A_149 : i32
          %dma_start3A_411 = arith.constant 0 : i32
          %dma_start3A_412 = arith.constant 0 : i32
          %dma_start3A_413 = tpu.memref_slice %run_scoped3A[%rem3A_408, %dma_start3A_411, %dma_start3A_412] : memref<2x1x512xi32, #tpu.memory_space<vmem>> -> memref<1x1x512xi32, #tpu.memory_space<vmem>>
          %dma_start3A_414 = tpu.memref_squeeze %dma_start3A_413 : memref<1x1x512xi32, #tpu.memory_space<vmem>> -> memref<1x512xi32, #tpu.memory_space<vmem>>
          %dma_start3A_415 = arith.constant 0 : i32
          %dma_start3A_416 = tpu.memref_slice %arg3[%dma_start3A_415, %mul3A_410] : memref<1x409600xi32, #tpu.memory_space<hbm>> -> memref<1x512xi32, #tpu.memory_space<hbm>>
          %dma_start3A_417 = tpu.memref_slice %run_scoped3A_7[%rem3A_408] : memref<2x!tpu.dma_semaphore, #tpu.memory_space<semaphore_mem>> -> memref<1x!tpu.dma_semaphore, #tpu.memory_space<semaphore_mem>>
          %dma_start3A_418 = tpu.memref_squeeze %dma_start3A_417 : memref<1x!tpu.dma_semaphore, #tpu.memory_space<semaphore_mem>> -> memref<!tpu.dma_semaphore, #tpu.memory_space<semaphore_mem>>
          %dma_start3A_419 = arith.constant 0 : i32
          %dma_start3A_420 = arith.constant 0 : i32
          %dma_start3A_421 = tpu.memref_slice %run_scoped3A[%rem3A_408, %dma_start3A_419, %dma_start3A_420] : memref<2x1x512xi32, #tpu.memory_space<vmem>> -> memref<1x1x512xi32, #tpu.memory_space<vmem>>
          %dma_start3A_422 = tpu.memref_squeeze %dma_start3A_421 : memref<1x1x512xi32, #tpu.memory_space<vmem>> -> memref<1x512xi32, #tpu.memory_space<vmem>>
          %dma_start3A_423 = arith.constant 0 : i32
          %dma_start3A_424 = tpu.memref_slice %arg3[%dma_start3A_423, %mul3A_410] : memref<1x409600xi32, #tpu.memory_space<hbm>> -> memref<1x512xi32, #tpu.memory_space<hbm>>
          tpu.enqueue_dma source(%dma_start3A_424 : memref<1x512xi32, #tpu.memory_space<hbm>>) target(%dma_start3A_422 : memref<1x512xi32, #tpu.memory_space<vmem>>) target_semaphore(%dma_start3A_418 : memref<!tpu.dma_semaphore, #tpu.memory_space<semaphore_mem>>)
          "tpu.trace_stop"() : () -> ()
        } else {
        }
        %and3A_163 = arith.constant true
        %and3A_164 = arith.andi %and3A, %and3A_163 : i1
        %add3A_165 = arith.constant 1 : i32
        %add3A_166 = arith.addi %scan3A_122, %add3A_165 : i32
        %select_n3A_167 = arith.select %and3A_164, %add3A_166, %scan3A_122 : i32
        %ne3A_168 = arith.cmpi ne, %add3A_131, %add3A_149 : i32
        %or3A_169 = arith.constant false
        %or3A_170 = arith.ori %or3A_169, %ne3A_168 : i1
        %or3A_171 = arith.constant false
        %or3A_172 = arith.ori %or3A_170, %or3A_171 : i1
        %ge3A_173 = arith.constant 24 : i32
        %ge3A_174 = arith.cmpi sge, %scan3A_121, %ge3A_173 : i32
        %not3A_175 = arith.constant true
        %not3A_176 = arith.xori %ge3A_174, %not3A_175 : i1
        %and3A_177 = arith.andi %or3A_172, %not3A_176 : i1
        %ne3A_178 = arith.cmpi ne, %add3A_131, %add3A_140 : i32
        %or3A_179 = arith.constant false
        %or3A_180 = arith.ori %or3A_179, %ne3A_178 : i1
        %or3A_181 = arith.ori %or3A_180, %eq3A_128 : i1
        %convert_element_type3A_182 = arith.extui %or3A_181 : i1 to i32
        %cond3A_183 = arith.constant 0 : i32
        %cond3A_184 = arith.cmpi ne, %convert_element_type3A_182, %cond3A_183 : i32
        scf.if %cond3A_184 {
          "tpu.trace_start"() <{level = 10 : i32, message = "ep_wait_in"}> : () -> ()
          %mul3A_407 = arith.constant 512 : i32
          %mul3A_408 = arith.muli %mul3A_407, %add3A_131 : i32
          %rem3A_409 = arith.constant 2 : i32
          %rem3A_410 = arith.remui %scan3A_123, %rem3A_409 : i32
          %dma_wait3A_411 = arith.constant 0 : i32
          %dma_wait3A_412 = arith.constant 0 : i32
          %dma_wait3A_413 = tpu.memref_slice %run_scoped3A[%rem3A_410, %dma_wait3A_411, %dma_wait3A_412] : memref<2x1x512xi32, #tpu.memory_space<vmem>> -> memref<1x1x512xi32, #tpu.memory_space<vmem>>
          %dma_wait3A_414 = tpu.memref_squeeze %dma_wait3A_413 : memref<1x1x512xi32, #tpu.memory_space<vmem>> -> memref<1x512xi32, #tpu.memory_space<vmem>>
          %dma_wait3A_415 = arith.constant 0 : i32
          %dma_wait3A_416 = tpu.memref_slice %arg3[%dma_wait3A_415, %mul3A_408] : memref<1x409600xi32, #tpu.memory_space<hbm>> -> memref<1x512xi32, #tpu.memory_space<hbm>>
          %dma_wait3A_417 = tpu.memref_slice %run_scoped3A_7[%rem3A_410] : memref<2x!tpu.dma_semaphore, #tpu.memory_space<semaphore_mem>> -> memref<1x!tpu.dma_semaphore, #tpu.memory_space<semaphore_mem>>
          %dma_wait3A_418 = tpu.memref_squeeze %dma_wait3A_417 : memref<1x!tpu.dma_semaphore, #tpu.memory_space<semaphore_mem>> -> memref<!tpu.dma_semaphore, #tpu.memory_space<semaphore_mem>>
          %dma_wait3A_419 = arith.constant 0 : i32
          %dma_wait3A_420 = arith.constant 0 : i32
          %dma_wait3A_421 = tpu.memref_slice %run_scoped3A[%rem3A_410, %dma_wait3A_419, %dma_wait3A_420] : memref<2x1x512xi32, #tpu.memory_space<vmem>> -> memref<1x1x512xi32, #tpu.memory_space<vmem>>
          %dma_wait3A_422 = tpu.memref_squeeze %dma_wait3A_421 : memref<1x1x512xi32, #tpu.memory_space<vmem>> -> memref<1x512xi32, #tpu.memory_space<vmem>>
          %dma_wait3A_423 = arith.constant 0 : i32
          %dma_wait3A_424 = tpu.memref_slice %arg3[%dma_wait3A_423, %mul3A_408] : memref<1x409600xi32, #tpu.memory_space<hbm>> -> memref<1x512xi32, #tpu.memory_space<hbm>>
          tpu.wait_dma2 semaphore(%dma_wait3A_418 : memref<!tpu.dma_semaphore, #tpu.memory_space<semaphore_mem>>) src(%dma_wait3A_424 : memref<1x512xi32, #tpu.memory_space<hbm>>) dst(%dma_wait3A_422 : memref<1x512xi32, #tpu.memory_space<vmem>>)
          "tpu.trace_stop"() : () -> ()
        } else {
        }
        %ne3A_185 = arith.cmpi ne, %add3A_131, %add3A_140 : i32
        %or3A_186 = arith.constant false
        %or3A_187 = arith.ori %or3A_186, %ne3A_185 : i1
        %or3A_188 = arith.constant false
        %or3A_189 = arith.ori %or3A_187, %or3A_188 : i1
        %or3A_190 = arith.ori %or3A_189, %eq3A_128 : i1
        %convert_element_type3A_191 = arith.extui %or3A_190 : i1 to i32
        %cond3A_192 = arith.constant 0 : i32
        %cond3A_193 = arith.cmpi ne, %convert_element_type3A_191, %cond3A_192 : i32
        scf.if %cond3A_193 {
        } else {
        }
        %rem3A_194 = arith.constant 2 : i32
        %rem3A_195 = arith.remui %scan3A_123, %rem3A_194 : i32
        %rem3A_196 = arith.constant 2 : i32
        %rem3A_197 = arith.remui %scan3A_124, %rem3A_196 : i32
        %dma_start3A_198 = arith.constant 0 : i32
        "tpu.trace_start"() <{level = 10 : i32, message = "ep_run_kernel"}> : () -> ()
        %dma_start3A_199 = arith.constant 0 : i32
        %dma_start3A_200 = arith.constant 0 : i32
        %dma_start3A_201 = tpu.memref_slice %run_scoped3A_8[%rem3A_197, %dma_start3A_199, %dma_start3A_200] : memref<2x512x32xf32, #tpu.memory_space<vmem>> -> memref<1x512x32xf32, #tpu.memory_space<vmem>>
        %dma_start3A_202 = tpu.memref_squeeze %dma_start3A_201 : memref<1x512x32xf32, #tpu.memory_space<vmem>> -> memref<512x32xf32, #tpu.memory_space<vmem>>
        %dma_start3A_203 = arith.constant 0 : i32
        %dma_start3A_204 = arith.constant 0 : i32
        %dma_start3A_205 = tpu.memref_slice %dma_start3A_202[%dma_start3A_203, %dma_start3A_204] : memref<512x32xf32, #tpu.memory_space<vmem>> -> memref<128x32xf32, #tpu.memory_space<vmem>>
        %dma_start3A_206 = arith.constant 0 : i32
        %dma_start3A_207 = arith.constant 0 : i32
        %dma_start3A_208 = tpu.memref_slice %run_scoped3A[%rem3A_195, %dma_start3A_206, %dma_start3A_207] : memref<2x1x512xi32, #tpu.memory_space<vmem>> -> memref<1x1x512xi32, #tpu.memory_space<vmem>>
        %dma_start3A_209 = tpu.memref_squeeze %dma_start3A_208 : memref<1x1x512xi32, #tpu.memory_space<vmem>> -> memref<1x512xi32, #tpu.memory_space<vmem>>
        %dma_start3A_210 = arith.constant 0 : i32
        %dma_start3A_211 = tpu.memref_slice %dma_start3A_209[%dma_start3A_198, %dma_start3A_210] : memref<1x512xi32, #tpu.memory_space<vmem>> -> memref<1x128xi32, #tpu.memory_space<vmem>>
        %dma_start3A_212 = tpu.memref_squeeze %dma_start3A_211 : memref<1x128xi32, #tpu.memory_space<vmem>> -> memref<128xi32, #tpu.memory_space<vmem>>
        %dma_start3A_213 = arith.constant 0 : i32
        %dma_start3A_214 = arith.constant 0 : i32
        %dma_start3A_215 = tpu.memref_slice %arg2[%dma_start3A_213, %dma_start3A_214] : memref<50000x32xf32, #tpu.memory_space<hbm>> -> memref<50000x32xf32, #tpu.memory_space<hbm>>
        tpu.enqueue_indirect_dma source(%dma_start3A_215 : memref<50000x32xf32, #tpu.memory_space<hbm>>) target(%dma_start3A_205 : memref<128x32xf32, #tpu.memory_space<vmem>>) offsets(%dma_start3A_212 : memref<128xi32, #tpu.memory_space<vmem>>) semaphore(%arg5 : memref<!tpu.dma_semaphore, #tpu.memory_space<semaphore_mem>>)
        %dma_start3A_216 = arith.constant 0 : i32
        %dma_start3A_217 = arith.constant 0 : i32
        %dma_start3A_218 = arith.constant 0 : i32
        %dma_start3A_219 = tpu.memref_slice %run_scoped3A_8[%rem3A_197, %dma_start3A_217, %dma_start3A_218] : memref<2x512x32xf32, #tpu.memory_space<vmem>> -> memref<1x512x32xf32, #tpu.memory_space<vmem>>
        %dma_start3A_220 = tpu.memref_squeeze %dma_start3A_219 : memref<1x512x32xf32, #tpu.memory_space<vmem>> -> memref<512x32xf32, #tpu.memory_space<vmem>>
        %dma_start3A_221 = arith.constant 128 : i32
        %dma_start3A_222 = arith.constant 0 : i32
        %dma_start3A_223 = tpu.memref_slice %dma_start3A_220[%dma_start3A_221, %dma_start3A_222] : memref<512x32xf32, #tpu.memory_space<vmem>> -> memref<128x32xf32, #tpu.memory_space<vmem>>
        %dma_start3A_224 = arith.constant 0 : i32
        %dma_start3A_225 = arith.constant 0 : i32
        %dma_start3A_226 = tpu.memref_slice %run_scoped3A[%rem3A_195, %dma_start3A_224, %dma_start3A_225] : memref<2x1x512xi32, #tpu.memory_space<vmem>> -> memref<1x1x512xi32, #tpu.memory_space<vmem>>
        %dma_start3A_227 = tpu.memref_squeeze %dma_start3A_226 : memref<1x1x512xi32, #tpu.memory_space<vmem>> -> memref<1x512xi32, #tpu.memory_space<vmem>>
        %dma_start3A_228 = arith.constant 128 : i32
        %dma_start3A_229 = tpu.memref_slice %dma_start3A_227[%dma_start3A_216, %dma_start3A_228] : memref<1x512xi32, #tpu.memory_space<vmem>> -> memref<1x128xi32, #tpu.memory_space<vmem>>
        %dma_start3A_230 = tpu.memref_squeeze %dma_start3A_229 : memref<1x128xi32, #tpu.memory_space<vmem>> -> memref<128xi32, #tpu.memory_space<vmem>>
        %dma_start3A_231 = arith.constant 0 : i32
        %dma_start3A_232 = arith.constant 0 : i32
        %dma_start3A_233 = tpu.memref_slice %arg2[%dma_start3A_231, %dma_start3A_232] : memref<50000x32xf32, #tpu.memory_space<hbm>> -> memref<50000x32xf32, #tpu.memory_space<hbm>>
        tpu.enqueue_indirect_dma source(%dma_start3A_233 : memref<50000x32xf32, #tpu.memory_space<hbm>>) target(%dma_start3A_223 : memref<128x32xf32, #tpu.memory_space<vmem>>) offsets(%dma_start3A_230 : memref<128xi32, #tpu.memory_space<vmem>>) semaphore(%arg6 : memref<!tpu.dma_semaphore, #tpu.memory_space<semaphore_mem>>)
        %dma_start3A_234 = arith.constant 0 : i32
        %dma_start3A_235 = arith.constant 0 : i32
        %dma_start3A_236 = arith.constant 0 : i32
        %dma_start3A_237 = tpu.memref_slice %run_scoped3A_8[%rem3A_197, %dma_start3A_235, %dma_start3A_236] : memref<2x512x32xf32, #tpu.memory_space<vmem>> -> memref<1x512x32xf32, #tpu.memory_space<vmem>>
        %dma_start3A_238 = tpu.memref_squeeze %dma_start3A_237 : memref<1x512x32xf32, #tpu.memory_space<vmem>> -> memref<512x32xf32, #tpu.memory_space<vmem>>
        %dma_start3A_239 = arith.constant 256 : i32
        %dma_start3A_240 = arith.constant 0 : i32
        %dma_start3A_241 = tpu.memref_slice %dma_start3A_238[%dma_start3A_239, %dma_start3A_240] : memref<512x32xf32, #tpu.memory_space<vmem>> -> memref<128x32xf32, #tpu.memory_space<vmem>>
        %dma_start3A_242 = arith.constant 0 : i32
        %dma_start3A_243 = arith.constant 0 : i32
        %dma_start3A_244 = tpu.memref_slice %run_scoped3A[%rem3A_195, %dma_start3A_242, %dma_start3A_243] : memref<2x1x512xi32, #tpu.memory_space<vmem>> -> memref<1x1x512xi32, #tpu.memory_space<vmem>>
        %dma_start3A_245 = tpu.memref_squeeze %dma_start3A_244 : memref<1x1x512xi32, #tpu.memory_space<vmem>> -> memref<1x512xi32, #tpu.memory_space<vmem>>
        %dma_start3A_246 = arith.constant 256 : i32
        %dma_start3A_247 = tpu.memref_slice %dma_start3A_245[%dma_start3A_234, %dma_start3A_246] : memref<1x512xi32, #tpu.memory_space<vmem>> -> memref<1x128xi32, #tpu.memory_space<vmem>>
        %dma_start3A_248 = tpu.memref_squeeze %dma_start3A_247 : memref<1x128xi32, #tpu.memory_space<vmem>> -> memref<128xi32, #tpu.memory_space<vmem>>
        %dma_start3A_249 = arith.constant 0 : i32
        %dma_start3A_250 = arith.constant 0 : i32
        %dma_start3A_251 = tpu.memref_slice %arg2[%dma_start3A_249, %dma_start3A_250] : memref<50000x32xf32, #tpu.memory_space<hbm>> -> memref<50000x32xf32, #tpu.memory_space<hbm>>
        tpu.enqueue_indirect_dma source(%dma_start3A_251 : memref<50000x32xf32, #tpu.memory_space<hbm>>) target(%dma_start3A_241 : memref<128x32xf32, #tpu.memory_space<vmem>>) offsets(%dma_start3A_248 : memref<128xi32, #tpu.memory_space<vmem>>) semaphore(%arg7 : memref<!tpu.dma_semaphore, #tpu.memory_space<semaphore_mem>>)
        %dma_start3A_252 = arith.constant 0 : i32
        %dma_start3A_253 = arith.constant 0 : i32
        %dma_start3A_254 = arith.constant 0 : i32
        %dma_start3A_255 = tpu.memref_slice %run_scoped3A_8[%rem3A_197, %dma_start3A_253, %dma_start3A_254] : memref<2x512x32xf32, #tpu.memory_space<vmem>> -> memref<1x512x32xf32, #tpu.memory_space<vmem>>
        %dma_start3A_256 = tpu.memref_squeeze %dma_start3A_255 : memref<1x512x32xf32, #tpu.memory_space<vmem>> -> memref<512x32xf32, #tpu.memory_space<vmem>>
        %dma_start3A_257 = arith.constant 384 : i32
        %dma_start3A_258 = arith.constant 0 : i32
        %dma_start3A_259 = tpu.memref_slice %dma_start3A_256[%dma_start3A_257, %dma_start3A_258] : memref<512x32xf32, #tpu.memory_space<vmem>> -> memref<128x32xf32, #tpu.memory_space<vmem>>
        %dma_start3A_260 = arith.constant 0 : i32
        %dma_start3A_261 = arith.constant 0 : i32
        %dma_start3A_262 = tpu.memref_slice %run_scoped3A[%rem3A_195, %dma_start3A_260, %dma_start3A_261] : memref<2x1x512xi32, #tpu.memory_space<vmem>> -> memref<1x1x512xi32, #tpu.memory_space<vmem>>
        %dma_start3A_263 = tpu.memref_squeeze %dma_start3A_262 : memref<1x1x512xi32, #tpu.memory_space<vmem>> -> memref<1x512xi32, #tpu.memory_space<vmem>>
        %dma_start3A_264 = arith.constant 384 : i32
        %dma_start3A_265 = tpu.memref_slice %dma_start3A_263[%dma_start3A_252, %dma_start3A_264] : memref<1x512xi32, #tpu.memory_space<vmem>> -> memref<1x128xi32, #tpu.memory_space<vmem>>
        %dma_start3A_266 = tpu.memref_squeeze %dma_start3A_265 : memref<1x128xi32, #tpu.memory_space<vmem>> -> memref<128xi32, #tpu.memory_space<vmem>>
        %dma_start3A_267 = arith.constant 0 : i32
        %dma_start3A_268 = arith.constant 0 : i32
        %dma_start3A_269 = tpu.memref_slice %arg2[%dma_start3A_267, %dma_start3A_268] : memref<50000x32xf32, #tpu.memory_space<hbm>> -> memref<50000x32xf32, #tpu.memory_space<hbm>>
        tpu.enqueue_indirect_dma source(%dma_start3A_269 : memref<50000x32xf32, #tpu.memory_space<hbm>>) target(%dma_start3A_259 : memref<128x32xf32, #tpu.memory_space<vmem>>) offsets(%dma_start3A_266 : memref<128xi32, #tpu.memory_space<vmem>>) semaphore(%arg8 : memref<!tpu.dma_semaphore, #tpu.memory_space<semaphore_mem>>)
        %dma_wait3A_270 = arith.constant 0 : i32
        %dma_wait3A_271 = arith.constant 0 : i32
        %dma_wait3A_272 = arith.constant 0 : i32
        %dma_wait3A_273 = tpu.memref_slice %run_scoped3A_8[%rem3A_197, %dma_wait3A_271, %dma_wait3A_272] : memref<2x512x32xf32, #tpu.memory_space<vmem>> -> memref<1x512x32xf32, #tpu.memory_space<vmem>>
        %dma_wait3A_274 = tpu.memref_squeeze %dma_wait3A_273 : memref<1x512x32xf32, #tpu.memory_space<vmem>> -> memref<512x32xf32, #tpu.memory_space<vmem>>
        %dma_wait3A_275 = arith.constant 0 : i32
        %dma_wait3A_276 = arith.constant 0 : i32
        %dma_wait3A_277 = tpu.memref_slice %dma_wait3A_274[%dma_wait3A_275, %dma_wait3A_276] : memref<512x32xf32, #tpu.memory_space<vmem>> -> memref<128x32xf32, #tpu.memory_space<vmem>>
        %dma_wait3A_278 = arith.constant 0 : i32
        %dma_wait3A_279 = arith.constant 0 : i32
        %dma_wait3A_280 = tpu.memref_slice %run_scoped3A[%rem3A_195, %dma_wait3A_278, %dma_wait3A_279] : memref<2x1x512xi32, #tpu.memory_space<vmem>> -> memref<1x1x512xi32, #tpu.memory_space<vmem>>
        %dma_wait3A_281 = tpu.memref_squeeze %dma_wait3A_280 : memref<1x1x512xi32, #tpu.memory_space<vmem>> -> memref<1x512xi32, #tpu.memory_space<vmem>>
        %dma_wait3A_282 = arith.constant 0 : i32
        %dma_wait3A_283 = tpu.memref_slice %dma_wait3A_281[%dma_wait3A_270, %dma_wait3A_282] : memref<1x512xi32, #tpu.memory_space<vmem>> -> memref<1x128xi32, #tpu.memory_space<vmem>>
        %dma_wait3A_284 = tpu.memref_squeeze %dma_wait3A_283 : memref<1x128xi32, #tpu.memory_space<vmem>> -> memref<128xi32, #tpu.memory_space<vmem>>
        %dma_wait3A_285 = arith.constant 0 : i32
        %dma_wait3A_286 = arith.constant 0 : i32
        %dma_wait3A_287 = tpu.memref_slice %arg2[%dma_wait3A_285, %dma_wait3A_286] : memref<50000x32xf32, #tpu.memory_space<hbm>> -> memref<50000x32xf32, #tpu.memory_space<hbm>>
        tpu.wait_indirect_dma semaphore(%arg5 : memref<!tpu.dma_semaphore, #tpu.memory_space<semaphore_mem>>) src(%dma_wait3A_287 : memref<50000x32xf32, #tpu.memory_space<hbm>>) dst(%dma_wait3A_277 : memref<128x32xf32, #tpu.memory_space<vmem>>)
        %dma_wait3A_288 = arith.constant 0 : i32
        %dma_wait3A_289 = arith.constant 0 : i32
        %dma_wait3A_290 = arith.constant 0 : i32
        %dma_wait3A_291 = tpu.memref_slice %run_scoped3A_8[%rem3A_197, %dma_wait3A_289, %dma_wait3A_290] : memref<2x512x32xf32, #tpu.memory_space<vmem>> -> memref<1x512x32xf32, #tpu.memory_space<vmem>>
        %dma_wait3A_292 = tpu.memref_squeeze %dma_wait3A_291 : memref<1x512x32xf32, #tpu.memory_space<vmem>> -> memref<512x32xf32, #tpu.memory_space<vmem>>
        %dma_wait3A_293 = arith.constant 128 : i32
        %dma_wait3A_294 = arith.constant 0 : i32
        %dma_wait3A_295 = tpu.memref_slice %dma_wait3A_292[%dma_wait3A_293, %dma_wait3A_294] : memref<512x32xf32, #tpu.memory_space<vmem>> -> memref<128x32xf32, #tpu.memory_space<vmem>>
        %dma_wait3A_296 = arith.constant 0 : i32
        %dma_wait3A_297 = arith.constant 0 : i32
        %dma_wait3A_298 = tpu.memref_slice %run_scoped3A[%rem3A_195, %dma_wait3A_296, %dma_wait3A_297] : memref<2x1x512xi32, #tpu.memory_space<vmem>> -> memref<1x1x512xi32, #tpu.memory_space<vmem>>
        %dma_wait3A_299 = tpu.memref_squeeze %dma_wait3A_298 : memref<1x1x512xi32, #tpu.memory_space<vmem>> -> memref<1x512xi32, #tpu.memory_space<vmem>>
        %dma_wait3A_300 = arith.constant 128 : i32
        %dma_wait3A_301 = tpu.memref_slice %dma_wait3A_299[%dma_wait3A_288, %dma_wait3A_300] : memref<1x512xi32, #tpu.memory_space<vmem>> -> memref<1x128xi32, #tpu.memory_space<vmem>>
        %dma_wait3A_302 = tpu.memref_squeeze %dma_wait3A_301 : memref<1x128xi32, #tpu.memory_space<vmem>> -> memref<128xi32, #tpu.memory_space<vmem>>
        %dma_wait3A_303 = arith.constant 0 : i32
        %dma_wait3A_304 = arith.constant 0 : i32
        %dma_wait3A_305 = tpu.memref_slice %arg2[%dma_wait3A_303, %dma_wait3A_304] : memref<50000x32xf32, #tpu.memory_space<hbm>> -> memref<50000x32xf32, #tpu.memory_space<hbm>>
        tpu.wait_indirect_dma semaphore(%arg6 : memref<!tpu.dma_semaphore, #tpu.memory_space<semaphore_mem>>) src(%dma_wait3A_305 : memref<50000x32xf32, #tpu.memory_space<hbm>>) dst(%dma_wait3A_295 : memref<128x32xf32, #tpu.memory_space<vmem>>)
        %dma_wait3A_306 = arith.constant 0 : i32
        %dma_wait3A_307 = arith.constant 0 : i32
        %dma_wait3A_308 = arith.constant 0 : i32
        %dma_wait3A_309 = tpu.memref_slice %run_scoped3A_8[%rem3A_197, %dma_wait3A_307, %dma_wait3A_308] : memref<2x512x32xf32, #tpu.memory_space<vmem>> -> memref<1x512x32xf32, #tpu.memory_space<vmem>>
        %dma_wait3A_310 = tpu.memref_squeeze %dma_wait3A_309 : memref<1x512x32xf32, #tpu.memory_space<vmem>> -> memref<512x32xf32, #tpu.memory_space<vmem>>
        %dma_wait3A_311 = arith.constant 256 : i32
        %dma_wait3A_312 = arith.constant 0 : i32
        %dma_wait3A_313 = tpu.memref_slice %dma_wait3A_310[%dma_wait3A_311, %dma_wait3A_312] : memref<512x32xf32, #tpu.memory_space<vmem>> -> memref<128x32xf32, #tpu.memory_space<vmem>>
        %dma_wait3A_314 = arith.constant 0 : i32
        %dma_wait3A_315 = arith.constant 0 : i32
        %dma_wait3A_316 = tpu.memref_slice %run_scoped3A[%rem3A_195, %dma_wait3A_314, %dma_wait3A_315] : memref<2x1x512xi32, #tpu.memory_space<vmem>> -> memref<1x1x512xi32, #tpu.memory_space<vmem>>
        %dma_wait3A_317 = tpu.memref_squeeze %dma_wait3A_316 : memref<1x1x512xi32, #tpu.memory_space<vmem>> -> memref<1x512xi32, #tpu.memory_space<vmem>>
        %dma_wait3A_318 = arith.constant 256 : i32
        %dma_wait3A_319 = tpu.memref_slice %dma_wait3A_317[%dma_wait3A_306, %dma_wait3A_318] : memref<1x512xi32, #tpu.memory_space<vmem>> -> memref<1x128xi32, #tpu.memory_space<vmem>>
        %dma_wait3A_320 = tpu.memref_squeeze %dma_wait3A_319 : memref<1x128xi32, #tpu.memory_space<vmem>> -> memref<128xi32, #tpu.memory_space<vmem>>
        %dma_wait3A_321 = arith.constant 0 : i32
        %dma_wait3A_322 = arith.constant 0 : i32
        %dma_wait3A_323 = tpu.memref_slice %arg2[%dma_wait3A_321, %dma_wait3A_322] : memref<50000x32xf32, #tpu.memory_space<hbm>> -> memref<50000x32xf32, #tpu.memory_space<hbm>>
        tpu.wait_indirect_dma semaphore(%arg7 : memref<!tpu.dma_semaphore, #tpu.memory_space<semaphore_mem>>) src(%dma_wait3A_323 : memref<50000x32xf32, #tpu.memory_space<hbm>>) dst(%dma_wait3A_313 : memref<128x32xf32, #tpu.memory_space<vmem>>)
        %dma_wait3A_324 = arith.constant 0 : i32
        %dma_wait3A_325 = arith.constant 0 : i32
        %dma_wait3A_326 = arith.constant 0 : i32
        %dma_wait3A_327 = tpu.memref_slice %run_scoped3A_8[%rem3A_197, %dma_wait3A_325, %dma_wait3A_326] : memref<2x512x32xf32, #tpu.memory_space<vmem>> -> memref<1x512x32xf32, #tpu.memory_space<vmem>>
        %dma_wait3A_328 = tpu.memref_squeeze %dma_wait3A_327 : memref<1x512x32xf32, #tpu.memory_space<vmem>> -> memref<512x32xf32, #tpu.memory_space<vmem>>
        %dma_wait3A_329 = arith.constant 384 : i32
        %dma_wait3A_330 = arith.constant 0 : i32
        %dma_wait3A_331 = tpu.memref_slice %dma_wait3A_328[%dma_wait3A_329, %dma_wait3A_330] : memref<512x32xf32, #tpu.memory_space<vmem>> -> memref<128x32xf32, #tpu.memory_space<vmem>>
        %dma_wait3A_332 = arith.constant 0 : i32
        %dma_wait3A_333 = arith.constant 0 : i32
        %dma_wait3A_334 = tpu.memref_slice %run_scoped3A[%rem3A_195, %dma_wait3A_332, %dma_wait3A_333] : memref<2x1x512xi32, #tpu.memory_space<vmem>> -> memref<1x1x512xi32, #tpu.memory_space<vmem>>
        %dma_wait3A_335 = tpu.memref_squeeze %dma_wait3A_334 : memref<1x1x512xi32, #tpu.memory_space<vmem>> -> memref<1x512xi32, #tpu.memory_space<vmem>>
        %dma_wait3A_336 = arith.constant 384 : i32
        %dma_wait3A_337 = tpu.memref_slice %dma_wait3A_335[%dma_wait3A_324, %dma_wait3A_336] : memref<1x512xi32, #tpu.memory_space<vmem>> -> memref<1x128xi32, #tpu.memory_space<vmem>>
        %dma_wait3A_338 = tpu.memref_squeeze %dma_wait3A_337 : memref<1x128xi32, #tpu.memory_space<vmem>> -> memref<128xi32, #tpu.memory_space<vmem>>
        %dma_wait3A_339 = arith.constant 0 : i32
        %dma_wait3A_340 = arith.constant 0 : i32
        %dma_wait3A_341 = tpu.memref_slice %arg2[%dma_wait3A_339, %dma_wait3A_340] : memref<50000x32xf32, #tpu.memory_space<hbm>> -> memref<50000x32xf32, #tpu.memory_space<hbm>>
        tpu.wait_indirect_dma semaphore(%arg8 : memref<!tpu.dma_semaphore, #tpu.memory_space<semaphore_mem>>) src(%dma_wait3A_341 : memref<50000x32xf32, #tpu.memory_space<hbm>>) dst(%dma_wait3A_331 : memref<128x32xf32, #tpu.memory_space<vmem>>)
        "tpu.trace_stop"() : () -> ()
        %ne3A_342 = arith.cmpi ne, %add3A_131, %add3A_149 : i32
        %or3A_343 = arith.constant false
        %or3A_344 = arith.ori %or3A_343, %ne3A_342 : i1
        %or3A_345 = arith.ori %or3A_344, %eq3A_130 : i1
        %convert_element_type3A_346 = arith.extui %or3A_345 : i1 to i32
        %cond3A_347 = arith.constant 0 : i32
        %cond3A_348 = arith.cmpi ne, %convert_element_type3A_346, %cond3A_347 : i32
        scf.if %cond3A_348 {
        } else {
        }
        %and3A_349 = arith.constant false
        %and3A_350 = arith.andi %or3A_345, %and3A_349 : i1
        %ne3A_351 = arith.cmpi ne, %add3A_131, %add3A_149 : i32
        %or3A_352 = arith.constant false
        %or3A_353 = arith.ori %or3A_352, %ne3A_351 : i1
        %or3A_354 = arith.constant false
        %or3A_355 = arith.ori %or3A_353, %or3A_354 : i1
        %or3A_356 = arith.ori %or3A_355, %eq3A_130 : i1
        %convert_element_type3A_357 = arith.extui %or3A_356 : i1 to i32
        %cond3A_358 = arith.constant 0 : i32
        %cond3A_359 = arith.cmpi ne, %convert_element_type3A_357, %cond3A_358 : i32
        scf.if %cond3A_359 {
          "tpu.trace_start"() <{level = 10 : i32, message = "ep_copy_out"}> : () -> ()
          %rem3A_407 = arith.constant 2 : i32
          %rem3A_408 = arith.remui %scan3A_124, %rem3A_407 : i32
          %mul3A_409 = arith.constant 512 : i32
          %mul3A_410 = arith.muli %mul3A_409, %add3A_131 : i32
          %dma_start3A_411 = arith.constant 0 : i32
          %dma_start3A_412 = arith.constant 0 : i32
          %dma_start3A_413 = tpu.memref_slice %run_scoped3A_8[%rem3A_408, %dma_start3A_411, %dma_start3A_412] : memref<2x512x32xf32, #tpu.memory_space<vmem>> -> memref<1x512x32xf32, #tpu.memory_space<vmem>>
          %dma_start3A_414 = tpu.memref_squeeze %dma_start3A_413 : memref<1x512x32xf32, #tpu.memory_space<vmem>> -> memref<512x32xf32, #tpu.memory_space<vmem>>
          %dma_start3A_415 = arith.constant 0 : i32
          %dma_start3A_416 = tpu.memref_slice %arg4[%mul3A_410, %dma_start3A_415] : memref<409600x32xf32, #tpu.memory_space<hbm>> -> memref<512x32xf32, #tpu.memory_space<hbm>>
          %dma_start3A_417 = tpu.memref_slice %run_scoped3A_9[%rem3A_408] : memref<2x!tpu.dma_semaphore, #tpu.memory_space<semaphore_mem>> -> memref<1x!tpu.dma_semaphore, #tpu.memory_space<semaphore_mem>>
          %dma_start3A_418 = tpu.memref_squeeze %dma_start3A_417 : memref<1x!tpu.dma_semaphore, #tpu.memory_space<semaphore_mem>> -> memref<!tpu.dma_semaphore, #tpu.memory_space<semaphore_mem>>
          %dma_start3A_419 = arith.constant 0 : i32
          %dma_start3A_420 = tpu.memref_slice %arg4[%mul3A_410, %dma_start3A_419] : memref<409600x32xf32, #tpu.memory_space<hbm>> -> memref<512x32xf32, #tpu.memory_space<hbm>>
          %dma_start3A_421 = arith.constant 0 : i32
          %dma_start3A_422 = arith.constant 0 : i32
          %dma_start3A_423 = tpu.memref_slice %run_scoped3A_8[%rem3A_408, %dma_start3A_421, %dma_start3A_422] : memref<2x512x32xf32, #tpu.memory_space<vmem>> -> memref<1x512x32xf32, #tpu.memory_space<vmem>>
          %dma_start3A_424 = tpu.memref_squeeze %dma_start3A_423 : memref<1x512x32xf32, #tpu.memory_space<vmem>> -> memref<512x32xf32, #tpu.memory_space<vmem>>
          tpu.enqueue_dma source(%dma_start3A_424 : memref<512x32xf32, #tpu.memory_space<vmem>>) target(%dma_start3A_420 : memref<512x32xf32, #tpu.memory_space<hbm>>) target_semaphore(%dma_start3A_418 : memref<!tpu.dma_semaphore, #tpu.memory_space<semaphore_mem>>)
          "tpu.trace_stop"() : () -> ()
        } else {
        }
        %and3A_360 = arith.constant true
        %and3A_361 = arith.andi %or3A_356, %and3A_360 : i1
        %add3A_362 = arith.constant 1 : i32
        %add3A_363 = arith.addi %scan3A_124, %add3A_362 : i32
        %select_n3A_364 = arith.select %and3A_361, %add3A_363, %scan3A_124 : i32
        %ne3A_365 = arith.cmpi ne, %add3A_131, %add3A_140 : i32
        %or3A_366 = arith.constant false
        %or3A_367 = arith.ori %or3A_366, %ne3A_365 : i1
        %not3A_368 = arith.constant true
        %not3A_369 = arith.xori %eq3A_128, %not3A_368 : i1
        %and3A_370 = arith.andi %or3A_367, %not3A_369 : i1
        %convert_element_type3A_371 = arith.extui %and3A_370 : i1 to i32
        %cond3A_372 = arith.constant 0 : i32
        %cond3A_373 = arith.cmpi ne, %convert_element_type3A_371, %cond3A_372 : i32
        scf.if %cond3A_373 {
        } else {
        }
        %and3A_374 = arith.constant false
        %and3A_375 = arith.andi %and3A_370, %and3A_374 : i1
        %ne3A_376 = arith.cmpi ne, %add3A_131, %add3A_140 : i32
        %or3A_377 = arith.constant false
        %or3A_378 = arith.ori %or3A_377, %ne3A_376 : i1
        %or3A_379 = arith.constant false
        %or3A_380 = arith.ori %or3A_378, %or3A_379 : i1
        %not3A_381 = arith.constant true
        %not3A_382 = arith.xori %eq3A_128, %not3A_381 : i1
        %and3A_383 = arith.andi %or3A_380, %not3A_382 : i1
        %convert_element_type3A_384 = arith.extui %and3A_383 : i1 to i32
        %cond3A_385 = arith.constant 0 : i32
        %cond3A_386 = arith.cmpi ne, %convert_element_type3A_384, %cond3A_385 : i32
        scf.if %cond3A_386 {
          "tpu.trace_start"() <{level = 10 : i32, message = "ep_wait_out"}> : () -> ()
          %rem3A_407 = arith.constant 2 : i32
          %rem3A_408 = arith.remui %scan3A_125, %rem3A_407 : i32
          %mul3A_409 = arith.constant 512 : i32
          %mul3A_410 = arith.muli %mul3A_409, %add3A_140 : i32
          %dma_wait3A_411 = arith.constant 0 : i32
          %dma_wait3A_412 = arith.constant 0 : i32
          %dma_wait3A_413 = tpu.memref_slice %run_scoped3A_8[%rem3A_408, %dma_wait3A_411, %dma_wait3A_412] : memref<2x512x32xf32, #tpu.memory_space<vmem>> -> memref<1x512x32xf32, #tpu.memory_space<vmem>>
          %dma_wait3A_414 = tpu.memref_squeeze %dma_wait3A_413 : memref<1x512x32xf32, #tpu.memory_space<vmem>> -> memref<512x32xf32, #tpu.memory_space<vmem>>
          %dma_wait3A_415 = arith.constant 0 : i32
          %dma_wait3A_416 = tpu.memref_slice %arg4[%mul3A_410, %dma_wait3A_415] : memref<409600x32xf32, #tpu.memory_space<hbm>> -> memref<512x32xf32, #tpu.memory_space<hbm>>
          %dma_wait3A_417 = tpu.memref_slice %run_scoped3A_9[%rem3A_408] : memref<2x!tpu.dma_semaphore, #tpu.memory_space<semaphore_mem>> -> memref<1x!tpu.dma_semaphore, #tpu.memory_space<semaphore_mem>>
          %dma_wait3A_418 = tpu.memref_squeeze %dma_wait3A_417 : memref<1x!tpu.dma_semaphore, #tpu.memory_space<semaphore_mem>> -> memref<!tpu.dma_semaphore, #tpu.memory_space<semaphore_mem>>
          %dma_wait3A_419 = arith.constant 0 : i32
          %dma_wait3A_420 = tpu.memref_slice %arg4[%mul3A_410, %dma_wait3A_419] : memref<409600x32xf32, #tpu.memory_space<hbm>> -> memref<512x32xf32, #tpu.memory_space<hbm>>
          %dma_wait3A_421 = arith.constant 0 : i32
          %dma_wait3A_422 = arith.constant 0 : i32
          %dma_wait3A_423 = tpu.memref_slice %run_scoped3A_8[%rem3A_408, %dma_wait3A_421, %dma_wait3A_422] : memref<2x512x32xf32, #tpu.memory_space<vmem>> -> memref<1x512x32xf32, #tpu.memory_space<vmem>>
          %dma_wait3A_424 = tpu.memref_squeeze %dma_wait3A_423 : memref<1x512x32xf32, #tpu.memory_space<vmem>> -> memref<512x32xf32, #tpu.memory_space<vmem>>
          tpu.wait_dma2 semaphore(%dma_wait3A_418 : memref<!tpu.dma_semaphore, #tpu.memory_space<semaphore_mem>>) src(%dma_wait3A_424 : memref<512x32xf32, #tpu.memory_space<vmem>>) dst(%dma_wait3A_420 : memref<512x32xf32, #tpu.memory_space<hbm>>)
          "tpu.trace_stop"() : () -> ()
        } else {
        }
        %and3A_387 = arith.constant true
        %and3A_388 = arith.andi %and3A_383, %and3A_387 : i1
        %add3A_389 = arith.constant 1 : i32
        %add3A_390 = arith.addi %scan3A_125, %add3A_389 : i32
        %select_n3A_391 = arith.select %and3A_388, %add3A_390, %scan3A_125 : i32
        %ne3A_392 = arith.cmpi ne, %add3A_131, %add3A_149 : i32
        %or3A_393 = arith.constant false
        %or3A_394 = arith.ori %or3A_393, %ne3A_392 : i1
        %or3A_395 = arith.ori %or3A_394, %eq3A_130 : i1
        %add3A_396 = arith.constant 1 : i32
        %add3A_397 = arith.addi %scan3A_123, %add3A_396 : i32
        %select_n3A_398 = arith.select %or3A_395, %add3A_397, %scan3A_123 : i32
        %add3A_399 = arith.constant 1 : i32
        %add3A_400 = arith.addi %scan3A_126, %add3A_399 : i32
        %select_n3A_401 = arith.constant true
        %select_n3A_402 = arith.select %select_n3A_401, %add3A_400, %scan3A_126 : i32
        %eq3A_403 = arith.constant 25 : i32
        %eq3A_404 = arith.cmpi eq, %select_n3A_402, %eq3A_403 : i32
        %select_n3A_405 = arith.constant 0 : i32
        %select_n3A_406 = arith.select %eq3A_404, %select_n3A_405, %select_n3A_402 : i32
        scf.yield %select_n3A_167, %select_n3A_398, %select_n3A_364, %select_n3A_391, %select_n3A_406 : i32, i32, i32, i32, i32
      }
      %scan3A_68 = arith.constant 25 : i32
      %sub3A = arith.constant 1 : i32
      %sub3A_69 = arith.subi %scan3A_67#4, %sub3A : i32
      %select_n3A_70 = arith.constant true
      %select_n3A_71 = arith.select %select_n3A_70, %sub3A_69, %scan3A_67#4 : i32
      %eq3A_72 = arith.constant -1 : i32
      %eq3A_73 = arith.cmpi eq, %select_n3A_71, %eq3A_72 : i32
      %select_n3A_74 = arith.constant 24 : i32
      %select_n3A_75 = arith.select %eq3A_73, %select_n3A_74, %select_n3A_71 : i32
      %add3A_76 = arith.addi %select_n3A_75, %mul3A_6 : i32
      %sub3A_77 = arith.constant 1 : i32
      %sub3A_78 = arith.subi %select_n3A_75, %sub3A_77 : i32
      %select_n3A_79 = arith.constant true
      %select_n3A_80 = arith.select %select_n3A_79, %sub3A_78, %select_n3A_75 : i32
      %eq3A_81 = arith.constant -1 : i32
      %eq3A_82 = arith.cmpi eq, %select_n3A_80, %eq3A_81 : i32
      %select_n3A_83 = arith.constant 24 : i32
      %select_n3A_84 = arith.select %eq3A_82, %select_n3A_83, %select_n3A_80 : i32
      %add3A_85 = arith.addi %select_n3A_84, %mul3A_6 : i32
      %add3A_86 = arith.constant 1 : i32
      %add3A_87 = arith.addi %select_n3A_75, %add3A_86 : i32
      %select_n3A_88 = arith.constant true
      %select_n3A_89 = arith.select %select_n3A_88, %add3A_87, %select_n3A_75 : i32
      %eq3A_90 = arith.constant 25 : i32
      %eq3A_91 = arith.cmpi eq, %select_n3A_89, %eq3A_90 : i32
      %select_n3A_92 = arith.constant 0 : i32
      %select_n3A_93 = arith.select %eq3A_91, %select_n3A_92, %select_n3A_89 : i32
      %add3A_94 = arith.addi %select_n3A_93, %mul3A_6 : i32
      %add3A_95 = arith.constant 1 : i32
      %add3A_96 = arith.addi %select_n3A_93, %add3A_95 : i32
      %select_n3A_97 = arith.constant true
      %select_n3A_98 = arith.select %select_n3A_97, %add3A_96, %select_n3A_93 : i32
      %eq3A_99 = arith.constant 25 : i32
      %eq3A_100 = arith.cmpi eq, %select_n3A_98, %eq3A_99 : i32
      %select_n3A_101 = arith.constant 0 : i32
      %select_n3A_102 = arith.select %eq3A_100, %select_n3A_101, %select_n3A_98 : i32
      %add3A_103 = arith.addi %select_n3A_102, %mul3A_6 : i32
      "tpu.trace_start"() <{level = 10 : i32, message = "ep_finalize"}> : () -> ()
      %rem3A_104 = arith.constant 2 : i32
      %rem3A_105 = arith.remui %scan3A_67#3, %rem3A_104 : i32
      %mul3A_106 = arith.constant 512 : i32
      %mul3A_107 = arith.muli %mul3A_106, %add3A_76 : i32
      %dma_wait3A = arith.constant 0 : i32
      %dma_wait3A_108 = arith.constant 0 : i32
      %dma_wait3A_109 = tpu.memref_slice %run_scoped3A_8[%rem3A_105, %dma_wait3A, %dma_wait3A_108] : memref<2x512x32xf32, #tpu.memory_space<vmem>> -> memref<1x512x32xf32, #tpu.memory_space<vmem>>
      %dma_wait3A_110 = tpu.memref_squeeze %dma_wait3A_109 : memref<1x512x32xf32, #tpu.memory_space<vmem>> -> memref<512x32xf32, #tpu.memory_space<vmem>>
      %dma_wait3A_111 = arith.constant 0 : i32
      %dma_wait3A_112 = tpu.memref_slice %arg4[%mul3A_107, %dma_wait3A_111] : memref<409600x32xf32, #tpu.memory_space<hbm>> -> memref<512x32xf32, #tpu.memory_space<hbm>>
      %dma_wait3A_113 = tpu.memref_slice %run_scoped3A_9[%rem3A_105] : memref<2x!tpu.dma_semaphore, #tpu.memory_space<semaphore_mem>> -> memref<1x!tpu.dma_semaphore, #tpu.memory_space<semaphore_mem>>
      %dma_wait3A_114 = tpu.memref_squeeze %dma_wait3A_113 : memref<1x!tpu.dma_semaphore, #tpu.memory_space<semaphore_mem>> -> memref<!tpu.dma_semaphore, #tpu.memory_space<semaphore_mem>>
      %dma_wait3A_115 = arith.constant 0 : i32
      %dma_wait3A_116 = tpu.memref_slice %arg4[%mul3A_107, %dma_wait3A_115] : memref<409600x32xf32, #tpu.memory_space<hbm>> -> memref<512x32xf32, #tpu.memory_space<hbm>>
      %dma_wait3A_117 = arith.constant 0 : i32
      %dma_wait3A_118 = arith.constant 0 : i32
      %dma_wait3A_119 = tpu.memref_slice %run_scoped3A_8[%rem3A_105, %dma_wait3A_117, %dma_wait3A_118] : memref<2x512x32xf32, #tpu.memory_space<vmem>> -> memref<1x512x32xf32, #tpu.memory_space<vmem>>
      %dma_wait3A_120 = tpu.memref_squeeze %dma_wait3A_119 : memref<1x512x32xf32, #tpu.memory_space<vmem>> -> memref<512x32xf32, #tpu.memory_space<vmem>>
      tpu.wait_dma2 semaphore(%dma_wait3A_114 : memref<!tpu.dma_semaphore, #tpu.memory_space<semaphore_mem>>) src(%dma_wait3A_120 : memref<512x32xf32, #tpu.memory_space<vmem>>) dst(%dma_wait3A_116 : memref<512x32xf32, #tpu.memory_space<hbm>>)
      "tpu.trace_stop"() : () -> ()
      tpu.yield
    }) : () -> ()
    return
  }
}

module attributes {stable_mosaic.version = 14 : i64} {
  func.func @_tc1_body(%arg0: i32, %arg1: memref<5000x64xf32, #tpu.memory_space<vmem>>, %arg2: memref<5000x3xf32, #tpu.memory_space<vmem>>, %arg3: memref<64x16xf32, #tpu.memory_space<vmem>>, %arg4: memref<16x16xf32, #tpu.memory_space<vmem>>, %arg5: memref<1x16xf32, #tpu.memory_space<vmem>>, %arg6: memref<16x16xf32, #tpu.memory_space<vmem>>, %arg7: memref<1x16xf32, #tpu.memory_space<vmem>>, %arg8: memref<16x16xf32, #tpu.memory_space<vmem>>, %arg9: memref<1x16xf32, #tpu.memory_space<vmem>>, %arg10: memref<3x3xf32, #tpu.memory_space<vmem>>, %arg11: memref<1x3xf32, #tpu.memory_space<vmem>>, %arg12: memref<1x3xf32, #tpu.memory_space<vmem>>, %arg13: memref<1x3xf32, #tpu.memory_space<vmem>>, %arg14: memref<3x16xf32, #tpu.memory_space<vmem>>, %arg15: memref<1x16xf32, #tpu.memory_space<vmem>>, %arg16: memref<1x16xf32, #tpu.memory_space<vmem>>, %arg17: memref<1x16xf32, #tpu.memory_space<vmem>>, %arg18: memref<16x16xf32, #tpu.memory_space<vmem>>, %arg19: memref<1x16xf32, #tpu.memory_space<vmem>>, %arg20: memref<1x16xf32, #tpu.memory_space<vmem>>, %arg21: memref<1x16xf32, #tpu.memory_space<vmem>>, %arg22: memref<5000x32xf32, #tpu.memory_space<vmem>>, %arg23: memref<5000x16xf32, #tpu.memory_space<vmem>>) attributes {dimension_semantics = [#tpu.dimension_semantics<arbitrary>], iteration_bounds = array<i64: 10>, scalar_prefetch = 0 : i64, scratch_operands = 0 : i64, tpu.core_type = #tpu.core_type<tc>, window_params = [{transform_indices = @transform_0, window_bounds = array<i64: 5000, 64>}, {transform_indices = @transform_1, window_bounds = array<i64: 5000, 3>}, {pipeline_mode = #tpu.pipeline_mode<synchronous>, transform_indices = @transform_2, window_bounds = array<i64: 64, 16>}, {pipeline_mode = #tpu.pipeline_mode<synchronous>, transform_indices = @transform_3, window_bounds = array<i64: 16, 16>}, {pipeline_mode = #tpu.pipeline_mode<synchronous>, transform_indices = @transform_4, window_bounds = array<i64: 1, 16>}, {pipeline_mode = #tpu.pipeline_mode<synchronous>, transform_indices = @transform_5, window_bounds = array<i64: 16, 16>}, {pipeline_mode = #tpu.pipeline_mode<synchronous>, transform_indices = @transform_6, window_bounds = array<i64: 1, 16>}, {pipeline_mode = #tpu.pipeline_mode<synchronous>, transform_indices = @transform_7, window_bounds = array<i64: 16, 16>}, {pipeline_mode = #tpu.pipeline_mode<synchronous>, transform_indices = @transform_8, window_bounds = array<i64: 1, 16>}, {pipeline_mode = #tpu.pipeline_mode<synchronous>, transform_indices = @transform_9, window_bounds = array<i64: 3, 3>}, {pipeline_mode = #tpu.pipeline_mode<synchronous>, transform_indices = @transform_10, window_bounds = array<i64: 1, 3>}, {pipeline_mode = #tpu.pipeline_mode<synchronous>, transform_indices = @transform_11, window_bounds = array<i64: 1, 3>}, {pipeline_mode = #tpu.pipeline_mode<synchronous>, transform_indices = @transform_12, window_bounds = array<i64: 1, 3>}, {pipeline_mode = #tpu.pipeline_mode<synchronous>, transform_indices = @transform_13, window_bounds = array<i64: 3, 16>}, {pipeline_mode = #tpu.pipeline_mode<synchronous>, transform_indices = @transform_14, window_bounds = array<i64: 1, 16>}, {pipeline_mode = #tpu.pipeline_mode<synchronous>, transform_indices = @transform_15, window_bounds = array<i64: 1, 16>}, {pipeline_mode = #tpu.pipeline_mode<synchronous>, transform_indices = @transform_16, window_bounds = array<i64: 1, 16>}, {pipeline_mode = #tpu.pipeline_mode<synchronous>, transform_indices = @transform_17, window_bounds = array<i64: 16, 16>}, {pipeline_mode = #tpu.pipeline_mode<synchronous>, transform_indices = @transform_18, window_bounds = array<i64: 1, 16>}, {pipeline_mode = #tpu.pipeline_mode<synchronous>, transform_indices = @transform_19, window_bounds = array<i64: 1, 16>}, {pipeline_mode = #tpu.pipeline_mode<synchronous>, transform_indices = @transform_20, window_bounds = array<i64: 1, 16>}, {transform_indices = @transform_21, window_bounds = array<i64: 5000, 32>}, {transform_indices = @transform_22, window_bounds = array<i64: 5000, 16>}]} {
    %get3A = arith.constant 0 : index
    %get3A_0 = arith.constant 0 : index
    %get3A_1 = vector.load %arg20[%get3A, %get3A_0] : memref<1x16xf32, #tpu.memory_space<vmem>>, vector<1x16xf32>
    %mul3A = arith.constant 0.999994993 : f32
    %mul3A_2 = vector.broadcast %mul3A : f32 to vector<1x16xf32>
    %mul3A_3 = arith.mulf %mul3A_2, %get3A_1 : vector<1x16xf32>
    %get3A_4 = arith.constant 0 : index
    %get3A_5 = arith.constant 0 : index
    %get3A_6 = vector.load %arg18[%get3A_4, %get3A_5] : memref<16x16xf32, #tpu.memory_space<vmem>>, vector<16x16xf32>
    %get3A_7 = arith.constant 0 : index
    %get3A_8 = arith.constant 0 : index
    %get3A_9 = vector.load %arg6[%get3A_7, %get3A_8] : memref<16x16xf32, #tpu.memory_space<vmem>>, vector<16x16xf32>
    %dot_general3A = arith.constant dense<0.000000e+00> : vector<16x16xf32>
    %dot_general3A_10 = tpu.matmul %get3A_9, %get3A_6, %dot_general3A {dimension_numbers = #tpu.dot_dimension_numbers<[1], [0], [0], [1], [0, 0, 1, 1], [], []>, precision = #tpu.contract_precision<fp32>, transpose_lhs_hint = false} : vector<16x16xf32>, vector<16x16xf32>, vector<16x16xf32> -> vector<16x16xf32>
    %mul3A_11 = vector.broadcast %mul3A_3 : vector<1x16xf32> to vector<16x16xf32>
    %mul3A_12 = arith.mulf %dot_general3A_10, %mul3A_11 : vector<16x16xf32>
    %get3A_13 = arith.constant 0 : index
    %get3A_14 = arith.constant 0 : index
    %get3A_15 = vector.load %arg4[%get3A_13, %get3A_14] : memref<16x16xf32, #tpu.memory_space<vmem>>, vector<16x16xf32>
    %dot_general3A_16 = arith.constant dense<0.000000e+00> : vector<16x16xf32>
    %dot_general3A_17 = tpu.matmul %get3A_15, %get3A_6, %dot_general3A_16 {dimension_numbers = #tpu.dot_dimension_numbers<[1], [0], [0], [1], [0, 0, 1, 1], [], []>, precision = #tpu.contract_precision<fp32>, transpose_lhs_hint = false} : vector<16x16xf32>, vector<16x16xf32>, vector<16x16xf32> -> vector<16x16xf32>
    %neg3A = arith.constant 0.000000e+00 : f32
    %neg3A_18 = vector.broadcast %neg3A : f32 to vector<16x16xf32>
    %neg3A_19 = arith.subf %neg3A_18, %dot_general3A_17 : vector<16x16xf32>
    %mul3A_20 = vector.broadcast %mul3A_3 : vector<1x16xf32> to vector<16x16xf32>
    %mul3A_21 = arith.mulf %neg3A_19, %mul3A_20 : vector<16x16xf32>
    %get3A_22 = arith.constant 0 : index
    %get3A_23 = arith.constant 0 : index
    %get3A_24 = vector.load %arg8[%get3A_22, %get3A_23] : memref<16x16xf32, #tpu.memory_space<vmem>>, vector<16x16xf32>
    %concatenate3A = tpu.concatenate %mul3A_12, %get3A_24, %mul3A_21 in 1 : vector<16x16xf32>, vector<16x16xf32>, vector<16x16xf32> -> vector<16x48xf32>
    %get3A_25 = arith.constant 0 : index
    %get3A_26 = arith.constant 0 : index
    %get3A_27 = vector.load %arg3[%get3A_25, %get3A_26] : memref<64x16xf32, #tpu.memory_space<vmem>>, vector<64x16xf32>
    %dot_general3A_28 = arith.constant dense<0.000000e+00> : vector<64x48xf32>
    %dot_general3A_29 = tpu.matmul %get3A_27, %concatenate3A, %dot_general3A_28 {dimension_numbers = #tpu.dot_dimension_numbers<[1], [0], [0], [1], [0, 0, 1, 1], [], []>, precision = #tpu.contract_precision<fp32>, transpose_lhs_hint = false} : vector<64x16xf32>, vector<16x48xf32>, vector<64x48xf32> -> vector<64x48xf32>
    %get3A_30 = arith.constant 0 : index
    %get3A_31 = arith.constant 0 : index
    %get3A_32 = vector.load %arg7[%get3A_30, %get3A_31] : memref<1x16xf32, #tpu.memory_space<vmem>>, vector<1x16xf32>
    %dot_general3A_33 = arith.constant dense<0.000000e+00> : vector<1x16xf32>
    %dot_general3A_34 = tpu.matmul %get3A_32, %get3A_6, %dot_general3A_33 {dimension_numbers = #tpu.dot_dimension_numbers<[1], [0], [0], [1], [0, 0, 1, 1], [], []>, precision = #tpu.contract_precision<fp32>, transpose_lhs_hint = false} : vector<1x16xf32>, vector<16x16xf32>, vector<1x16xf32> -> vector<1x16xf32>
    %mul3A_35 = arith.mulf %dot_general3A_34, %mul3A_3 : vector<1x16xf32>
    %get3A_36 = arith.constant 0 : index
    %get3A_37 = arith.constant 0 : index
    %get3A_38 = vector.load %arg19[%get3A_36, %get3A_37] : memref<1x16xf32, #tpu.memory_space<vmem>>, vector<1x16xf32>
    %get3A_39 = arith.constant 0 : index
    %get3A_40 = arith.constant 0 : index
    %get3A_41 = vector.load %arg5[%get3A_39, %get3A_40] : memref<1x16xf32, #tpu.memory_space<vmem>>, vector<1x16xf32>
    %dot_general3A_42 = arith.constant dense<0.000000e+00> : vector<1x16xf32>
    %dot_general3A_43 = tpu.matmul %get3A_41, %get3A_6, %dot_general3A_42 {dimension_numbers = #tpu.dot_dimension_numbers<[1], [0], [0], [1], [0, 0, 1, 1], [], []>, precision = #tpu.contract_precision<fp32>, transpose_lhs_hint = false} : vector<1x16xf32>, vector<16x16xf32>, vector<1x16xf32> -> vector<1x16xf32>
    %sub3A = arith.subf %get3A_38, %dot_general3A_43 : vector<1x16xf32>
    %mul3A_44 = arith.mulf %sub3A, %mul3A_3 : vector<1x16xf32>
    %get3A_45 = arith.constant 0 : index
    %get3A_46 = arith.constant 0 : index
    %get3A_47 = vector.load %arg21[%get3A_45, %get3A_46] : memref<1x16xf32, #tpu.memory_space<vmem>>, vector<1x16xf32>
    %add3A = arith.addf %mul3A_44, %get3A_47 : vector<1x16xf32>
    %get3A_48 = arith.constant 0 : index
    %get3A_49 = arith.constant 0 : index
    %get3A_50 = vector.load %arg1[%get3A_48, %get3A_49] : memref<5000x64xf32, #tpu.memory_space<vmem>>, vector<5000x64xf32>
    %convert_element_type3A = arith.truncf %get3A_50 : vector<5000x64xf32> to vector<5000x64xbf16>
    %convert_element_type3A_51 = arith.truncf %dot_general3A_29 : vector<64x48xf32> to vector<64x48xbf16>
    %dot_general3A_52 = arith.constant dense<0.000000e+00> : vector<5000x48xf32>
    %dot_general3A_53 = tpu.matmul %convert_element_type3A, %convert_element_type3A_51, %dot_general3A_52 {dimension_numbers = #tpu.dot_dimension_numbers<[1], [0], [0], [1], [0, 0, 1, 1], [], []>, transpose_lhs_hint = false} : vector<5000x64xbf16>, vector<64x48xbf16>, vector<5000x48xf32> -> vector<5000x48xf32>
    %get3A_54 = arith.constant 0 : index
    %get3A_55 = arith.constant 0 : index
    %get3A_56 = vector.load %arg2[%get3A_54, %get3A_55] : memref<5000x3xf32, #tpu.memory_space<vmem>>, vector<5000x3xf32>
    %convert_element_type3A_57 = arith.truncf %get3A_56 : vector<5000x3xf32> to vector<5000x3xbf16>
    %get3A_58 = arith.constant 0 : index
    %get3A_59 = arith.constant 0 : index
    %get3A_60 = vector.load %arg10[%get3A_58, %get3A_59] : memref<3x3xf32, #tpu.memory_space<vmem>>, vector<3x3xf32>
    %convert_element_type3A_61 = arith.truncf %get3A_60 : vector<3x3xf32> to vector<3x3xbf16>
    %dot_general3A_62 = arith.constant dense<0.000000e+00> : vector<5000x3xf32>
    %dot_general3A_63 = tpu.matmul %convert_element_type3A_57, %convert_element_type3A_61, %dot_general3A_62 {dimension_numbers = #tpu.dot_dimension_numbers<[1], [0], [0], [1], [0, 0, 1, 1], [], []>, transpose_lhs_hint = false} : vector<5000x3xbf16>, vector<3x3xbf16>, vector<5000x3xf32> -> vector<5000x3xf32>
    %get3A_64 = arith.constant 0 : index
    %get3A_65 = arith.constant 0 : index
    %get3A_66 = vector.load %arg11[%get3A_64, %get3A_65] : memref<1x3xf32, #tpu.memory_space<vmem>>, vector<1x3xf32>
    %add3A_67 = vector.broadcast %get3A_66 : vector<1x3xf32> to vector<5000x3xf32>
    %add3A_68 = arith.addf %dot_general3A_63, %add3A_67 : vector<5000x3xf32>
    %get3A_69 = arith.constant 0 : index
    %get3A_70 = arith.constant 0 : index
    %get3A_71 = vector.load %arg12[%get3A_69, %get3A_70] : memref<1x3xf32, #tpu.memory_space<vmem>>, vector<1x3xf32>
    %mul3A_72 = arith.constant 0.999994993 : f32
    %mul3A_73 = vector.broadcast %mul3A_72 : f32 to vector<1x3xf32>
    %mul3A_74 = arith.mulf %mul3A_73, %get3A_71 : vector<1x3xf32>
    %mul3A_75 = vector.broadcast %mul3A_74 : vector<1x3xf32> to vector<5000x3xf32>
    %mul3A_76 = arith.mulf %add3A_68, %mul3A_75 : vector<5000x3xf32>
    %get3A_77 = arith.constant 0 : index
    %get3A_78 = arith.constant 0 : index
    %get3A_79 = vector.load %arg13[%get3A_77, %get3A_78] : memref<1x3xf32, #tpu.memory_space<vmem>>, vector<1x3xf32>
    %add3A_80 = vector.broadcast %get3A_79 : vector<1x3xf32> to vector<5000x3xf32>
    %add3A_81 = arith.addf %mul3A_76, %add3A_80 : vector<5000x3xf32>
    %max3A = arith.constant 0.000000e+00 : f32
    %max3A_82 = vector.broadcast %max3A : f32 to vector<5000x3xf32>
    %max3A_83 = arith.maximumf %add3A_81, %max3A_82 : vector<5000x3xf32>
    %convert_element_type3A_84 = arith.truncf %max3A_83 : vector<5000x3xf32> to vector<5000x3xbf16>
    %get3A_85 = arith.constant 0 : index
    %get3A_86 = arith.constant 0 : index
    %get3A_87 = vector.load %arg14[%get3A_85, %get3A_86] : memref<3x16xf32, #tpu.memory_space<vmem>>, vector<3x16xf32>
    %convert_element_type3A_88 = arith.truncf %get3A_87 : vector<3x16xf32> to vector<3x16xbf16>
    %dot_general3A_89 = arith.constant dense<0.000000e+00> : vector<5000x16xf32>
    %dot_general3A_90 = tpu.matmul %convert_element_type3A_84, %convert_element_type3A_88, %dot_general3A_89 {dimension_numbers = #tpu.dot_dimension_numbers<[1], [0], [0], [1], [0, 0, 1, 1], [], []>, transpose_lhs_hint = false} : vector<5000x3xbf16>, vector<3x16xbf16>, vector<5000x16xf32> -> vector<5000x16xf32>
    %get3A_91 = arith.constant 0 : index
    %get3A_92 = arith.constant 0 : index
    %get3A_93 = vector.load %arg15[%get3A_91, %get3A_92] : memref<1x16xf32, #tpu.memory_space<vmem>>, vector<1x16xf32>
    %add3A_94 = vector.broadcast %get3A_93 : vector<1x16xf32> to vector<5000x16xf32>
    %add3A_95 = arith.addf %dot_general3A_90, %add3A_94 : vector<5000x16xf32>
    %get3A_96 = arith.constant 0 : index
    %get3A_97 = arith.constant 0 : index
    %get3A_98 = vector.load %arg16[%get3A_96, %get3A_97] : memref<1x16xf32, #tpu.memory_space<vmem>>, vector<1x16xf32>
    %mul3A_99 = arith.constant 0.999994993 : f32
    %mul3A_100 = vector.broadcast %mul3A_99 : f32 to vector<1x16xf32>
    %mul3A_101 = arith.mulf %mul3A_100, %get3A_98 : vector<1x16xf32>
    %mul3A_102 = vector.broadcast %mul3A_101 : vector<1x16xf32> to vector<5000x16xf32>
    %mul3A_103 = arith.mulf %add3A_95, %mul3A_102 : vector<5000x16xf32>
    %get3A_104 = arith.constant 0 : index
    %get3A_105 = arith.constant 0 : index
    %get3A_106 = vector.load %arg17[%get3A_104, %get3A_105] : memref<1x16xf32, #tpu.memory_space<vmem>>, vector<1x16xf32>
    %add3A_107 = vector.broadcast %get3A_106 : vector<1x16xf32> to vector<5000x16xf32>
    %add3A_108 = arith.addf %mul3A_103, %add3A_107 : vector<5000x16xf32>
    %max3A_109 = arith.constant 0.000000e+00 : f32
    %max3A_110 = vector.broadcast %max3A_109 : f32 to vector<5000x16xf32>
    %max3A_111 = arith.maximumf %add3A_108, %max3A_110 : vector<5000x16xf32>
    %slice3A = vector.extract_strided_slice %dot_general3A_53 {offsets = [0, 0], sizes = [5000, 16], strides = [1, 1]} : vector<5000x48xf32> to vector<5000x16xf32>
    %convert_element_type3A_112 = arith.truncf %max3A_111 : vector<5000x16xf32> to vector<5000x16xbf16>
    %mul3A_113 = vector.broadcast %mul3A_3 : vector<1x16xf32> to vector<16x16xf32>
    %mul3A_114 = arith.mulf %get3A_6, %mul3A_113 : vector<16x16xf32>
    %convert_element_type3A_115 = arith.truncf %mul3A_114 : vector<16x16xf32> to vector<16x16xbf16>
    %dot_general3A_116 = arith.constant dense<0.000000e+00> : vector<5000x16xf32>
    %dot_general3A_117 = tpu.matmul %convert_element_type3A_112, %convert_element_type3A_115, %dot_general3A_116 {dimension_numbers = #tpu.dot_dimension_numbers<[1], [0], [0], [1], [0, 0, 1, 1], [], []>, transpose_lhs_hint = false} : vector<5000x16xbf16>, vector<16x16xbf16>, vector<5000x16xf32> -> vector<5000x16xf32>
    %add3A_118 = arith.addf %slice3A, %dot_general3A_117 : vector<5000x16xf32>
    %add3A_119 = vector.broadcast %mul3A_35 : vector<1x16xf32> to vector<5000x16xf32>
    %add3A_120 = arith.addf %add3A_118, %add3A_119 : vector<5000x16xf32>
    %slice3A_121 = vector.extract_strided_slice %dot_general3A_53 {offsets = [0, 16], sizes = [5000, 16], strides = [1, 1]} : vector<5000x48xf32> to vector<5000x16xf32>
    %get3A_122 = arith.constant 0 : index
    %get3A_123 = arith.constant 0 : index
    %get3A_124 = vector.load %arg9[%get3A_122, %get3A_123] : memref<1x16xf32, #tpu.memory_space<vmem>>, vector<1x16xf32>
    %add3A_125 = vector.broadcast %get3A_124 : vector<1x16xf32> to vector<5000x16xf32>
    %add3A_126 = arith.addf %slice3A_121, %add3A_125 : vector<5000x16xf32>
    %add3A_127 = arith.addf %add3A_126, %max3A_111 : vector<5000x16xf32>
    %slice3A_128 = vector.extract_strided_slice %dot_general3A_53 {offsets = [0, 32], sizes = [5000, 16], strides = [1, 1]} : vector<5000x48xf32> to vector<5000x16xf32>
    %add3A_129 = vector.broadcast %add3A : vector<1x16xf32> to vector<5000x16xf32>
    %add3A_130 = arith.addf %slice3A_128, %add3A_129 : vector<5000x16xf32>
    %concatenate3A_131 = tpu.concatenate %add3A_120, %add3A_127 in 1 : vector<5000x16xf32>, vector<5000x16xf32> -> vector<5000x32xf32>
    %swap3A = arith.constant 0 : index
    %swap3A_132 = arith.constant 0 : index
    %swap3A_133 = vector.load %arg22[%swap3A, %swap3A_132] : memref<5000x32xf32, #tpu.memory_space<vmem>>, vector<5000x32xf32>
    tpu.vector_store %arg22[%swap3A, %swap3A_132], %concatenate3A_131 {strides = array<i32>} : memref<5000x32xf32, #tpu.memory_space<vmem>>, vector<5000x32xf32>,
    %swap3A_134 = arith.constant 0 : index
    %swap3A_135 = arith.constant 0 : index
    %swap3A_136 = vector.load %arg23[%swap3A_134, %swap3A_135] : memref<5000x16xf32, #tpu.memory_space<vmem>>, vector<5000x16xf32>
    tpu.vector_store %arg23[%swap3A_134, %swap3A_135], %add3A_130 {strides = array<i32>} : memref<5000x16xf32, #tpu.memory_space<vmem>>, vector<5000x16xf32>,
    return
  }
  func.func @transform_0(%arg0: i32) -> (i32, i32) {
    %c0_i32 = arith.constant 0 : i32
    %c0_i32_0 = arith.constant 0 : i32
    return %arg0, %c0_i32 : i32, i32
  }
  func.func @transform_1(%arg0: i32) -> (i32, i32) {
    %c0_i32 = arith.constant 0 : i32
    %c0_i32_0 = arith.constant 0 : i32
    return %arg0, %c0_i32 : i32, i32
  }
  func.func @transform_2(%arg0: i32) -> (i32, i32) {
    %c0_i32 = arith.constant 0 : i32
    %c0_i32_0 = arith.constant 0 : i32
    %c0_i32_1 = arith.constant 0 : i32
    return %c0_i32, %c0_i32_0 : i32, i32
  }
  func.func @transform_3(%arg0: i32) -> (i32, i32) {
    %c0_i32 = arith.constant 0 : i32
    %c0_i32_0 = arith.constant 0 : i32
    %c0_i32_1 = arith.constant 0 : i32
    return %c0_i32, %c0_i32_0 : i32, i32
  }
  func.func @transform_4(%arg0: i32) -> (i32, i32) {
    %c0_i32 = arith.constant 0 : i32
    %c0_i32_0 = arith.constant 0 : i32
    %c0_i32_1 = arith.constant 0 : i32
    return %c0_i32, %c0_i32_0 : i32, i32
  }
  func.func @transform_5(%arg0: i32) -> (i32, i32) {
    %c0_i32 = arith.constant 0 : i32
    %c0_i32_0 = arith.constant 0 : i32
    %c0_i32_1 = arith.constant 0 : i32
    return %c0_i32, %c0_i32_0 : i32, i32
  }
  func.func @transform_6(%arg0: i32) -> (i32, i32) {
    %c0_i32 = arith.constant 0 : i32
    %c0_i32_0 = arith.constant 0 : i32
    %c0_i32_1 = arith.constant 0 : i32
    return %c0_i32, %c0_i32_0 : i32, i32
  }
  func.func @transform_7(%arg0: i32) -> (i32, i32) {
    %c0_i32 = arith.constant 0 : i32
    %c0_i32_0 = arith.constant 0 : i32
    %c0_i32_1 = arith.constant 0 : i32
    return %c0_i32, %c0_i32_0 : i32, i32
  }
  func.func @transform_8(%arg0: i32) -> (i32, i32) {
    %c0_i32 = arith.constant 0 : i32
    %c0_i32_0 = arith.constant 0 : i32
    %c0_i32_1 = arith.constant 0 : i32
    return %c0_i32, %c0_i32_0 : i32, i32
  }
  func.func @transform_9(%arg0: i32) -> (i32, i32) {
    %c0_i32 = arith.constant 0 : i32
    %c0_i32_0 = arith.constant 0 : i32
    %c0_i32_1 = arith.constant 0 : i32
    return %c0_i32, %c0_i32_0 : i32, i32
  }
  func.func @transform_10(%arg0: i32) -> (i32, i32) {
    %c0_i32 = arith.constant 0 : i32
    %c0_i32_0 = arith.constant 0 : i32
    %c0_i32_1 = arith.constant 0 : i32
    return %c0_i32, %c0_i32_0 : i32, i32
  }
  func.func @transform_11(%arg0: i32) -> (i32, i32) {
    %c0_i32 = arith.constant 0 : i32
    %c0_i32_0 = arith.constant 0 : i32
    %c0_i32_1 = arith.constant 0 : i32
    return %c0_i32, %c0_i32_0 : i32, i32
  }
  func.func @transform_12(%arg0: i32) -> (i32, i32) {
    %c0_i32 = arith.constant 0 : i32
    %c0_i32_0 = arith.constant 0 : i32
    %c0_i32_1 = arith.constant 0 : i32
    return %c0_i32, %c0_i32_0 : i32, i32
  }
  func.func @transform_13(%arg0: i32) -> (i32, i32) {
    %c0_i32 = arith.constant 0 : i32
    %c0_i32_0 = arith.constant 0 : i32
    %c0_i32_1 = arith.constant 0 : i32
    return %c0_i32, %c0_i32_0 : i32, i32
  }
  func.func @transform_14(%arg0: i32) -> (i32, i32) {
    %c0_i32 = arith.constant 0 : i32
    %c0_i32_0 = arith.constant 0 : i32
    %c0_i32_1 = arith.constant 0 : i32
    return %c0_i32, %c0_i32_0 : i32, i32
  }
  func.func @transform_15(%arg0: i32) -> (i32, i32) {
    %c0_i32 = arith.constant 0 : i32
    %c0_i32_0 = arith.constant 0 : i32
    %c0_i32_1 = arith.constant 0 : i32
    return %c0_i32, %c0_i32_0 : i32, i32
  }
  func.func @transform_16(%arg0: i32) -> (i32, i32) {
    %c0_i32 = arith.constant 0 : i32
    %c0_i32_0 = arith.constant 0 : i32
    %c0_i32_1 = arith.constant 0 : i32
    return %c0_i32, %c0_i32_0 : i32, i32
  }
  func.func @transform_17(%arg0: i32) -> (i32, i32) {
    %c0_i32 = arith.constant 0 : i32
    %c0_i32_0 = arith.constant 0 : i32
    %c0_i32_1 = arith.constant 0 : i32
    return %c0_i32, %c0_i32_0 : i32, i32
  }
  func.func @transform_18(%arg0: i32) -> (i32, i32) {
    %c0_i32 = arith.constant 0 : i32
    %c0_i32_0 = arith.constant 0 : i32
    %c0_i32_1 = arith.constant 0 : i32
    return %c0_i32, %c0_i32_0 : i32, i32
  }
  func.func @transform_19(%arg0: i32) -> (i32, i32) {
    %c0_i32 = arith.constant 0 : i32
    %c0_i32_0 = arith.constant 0 : i32
    %c0_i32_1 = arith.constant 0 : i32
    return %c0_i32, %c0_i32_0 : i32, i32
  }
  func.func @transform_20(%arg0: i32) -> (i32, i32) {
    %c0_i32 = arith.constant 0 : i32
    %c0_i32_0 = arith.constant 0 : i32
    %c0_i32_1 = arith.constant 0 : i32
    return %c0_i32, %c0_i32_0 : i32, i32
  }
  func.func @transform_21(%arg0: i32) -> (i32, i32) {
    %c0_i32 = arith.constant 0 : i32
    %c0_i32_0 = arith.constant 0 : i32
    return %arg0, %c0_i32 : i32, i32
  }
  func.func @transform_22(%arg0: i32) -> (i32, i32) {
    %c0_i32 = arith.constant 0 : i32
    %c0_i32_0 = arith.constant 0 : i32
    return %arg0, %c0_i32 : i32, i32
  }
}

module attributes {stable_mosaic.version = 14 : i64} {
  func.func @_tc2_body(%arg0: i32, %arg1: memref<4000x128xf32, #tpu.memory_space<vmem>>, %arg2: memref<1000x16xf32, #tpu.memory_space<vmem>>, %arg3: memref<1000x64xf32, #tpu.memory_space<vmem>>, %arg4: memref<128x128xbf16, #tpu.memory_space<vmem>>, %arg5: memref<1x128xf32, #tpu.memory_space<vmem>>, %arg6: memref<128x128xbf16, #tpu.memory_space<vmem>>, %arg7: memref<128x128xbf16, #tpu.memory_space<vmem>>, %arg8: memref<16x64xf32, #tpu.memory_space<vmem>>, %arg9: memref<1000x64xf32, #tpu.memory_space<vmem>>) attributes {dimension_semantics = [#tpu.dimension_semantics<arbitrary>], iteration_bounds = array<i64: 25>, scalar_prefetch = 0 : i64, scratch_operands = 0 : i64, tpu.core_type = #tpu.core_type<tc>, window_params = [{transform_indices = @transform_0, window_bounds = array<i64: 4000, 128>}, {transform_indices = @transform_1, window_bounds = array<i64: 1000, 16>}, {transform_indices = @transform_2, window_bounds = array<i64: 1000, 64>}, {pipeline_mode = #tpu.pipeline_mode<synchronous>, transform_indices = @transform_3, window_bounds = array<i64: 128, 128>}, {pipeline_mode = #tpu.pipeline_mode<synchronous>, transform_indices = @transform_4, window_bounds = array<i64: 1, 128>}, {pipeline_mode = #tpu.pipeline_mode<synchronous>, transform_indices = @transform_5, window_bounds = array<i64: 128, 128>}, {pipeline_mode = #tpu.pipeline_mode<synchronous>, transform_indices = @transform_6, window_bounds = array<i64: 128, 128>}, {pipeline_mode = #tpu.pipeline_mode<synchronous>, transform_indices = @transform_7, window_bounds = array<i64: 16, 64>}, {transform_indices = @transform_8, window_bounds = array<i64: 1000, 64>}]} {
    %get3A = arith.constant 0 : index
    %get3A_0 = arith.constant 0 : index
    %get3A_1 = vector.load %arg1[%get3A, %get3A_0] : memref<4000x128xf32, #tpu.memory_space<vmem>>, vector<4000x128xf32>
    %get3A_2 = arith.constant 0 : index
    %get3A_3 = arith.constant 0 : index
    %get3A_4 = vector.load %arg2[%get3A_2, %get3A_3] : memref<1000x16xf32, #tpu.memory_space<vmem>>, vector<1000x16xf32>
    %broadcast_in_dim3A = arith.constant 0.000000e+00 : f32
    %broadcast_in_dim3A_5 = vector.broadcast %broadcast_in_dim3A : f32 to vector<1000x16xf32>
    %concatenate3A = tpu.concatenate %get3A_4, %broadcast_in_dim3A_5 in 1 : vector<1000x16xf32>, vector<1000x16xf32> -> vector<1000x32xf32>
    %concatenate3A_6 = tpu.concatenate %concatenate3A, %concatenate3A, %concatenate3A, %concatenate3A in 1 : vector<1000x32xf32>, vector<1000x32xf32>, vector<1000x32xf32>, vector<1000x32xf32> -> vector<1000x128xf32>
    %broadcast_in_dim3A_7 = vector.shape_cast %concatenate3A_6 : vector<1000x128xf32> to vector<1000x1x128xf32>
    %broadcast_in_dim3A_8 = vector.shape_cast %broadcast_in_dim3A_7 : vector<1000x1x128xf32> to vector<1000x1x128xf32>
    %broadcast_in_dim3A_9 = vector.broadcast %broadcast_in_dim3A_8 : vector<1000x1x128xf32> to vector<1000x4x128xf32>
    %reshape3A = vector.shape_cast %broadcast_in_dim3A_9 : vector<1000x4x128xf32> to vector<4000x128xf32>
    %iota3A = tpu.iota {dimensions = array<i32: 1>} : vector<4000x128xi32>
    %jit3A = arith.constant 32 : i32
    %eq3A = arith.constant 0 : i32
    %eq3A_10 = arith.cmpi eq, %jit3A, %eq3A : i32
    %jit3A_11 = arith.constant 1 : i32
    %select_n3A = arith.select %eq3A_10, %jit3A_11, %jit3A : i32
    %rem3A = vector.broadcast %select_n3A : i32 to vector<4000x128xi32>
    %rem3A_12 = arith.remsi %iota3A, %rem3A : vector<4000x128xi32>
    %ne3A = arith.constant 0 : i32
    %ne3A_13 = vector.broadcast %ne3A : i32 to vector<4000x128xi32>
    %ne3A_14 = arith.cmpi ne, %rem3A_12, %ne3A_13 : vector<4000x128xi32>
    %lt3A = arith.constant 0 : i32
    %lt3A_15 = vector.broadcast %lt3A : i32 to vector<4000x128xi32>
    %lt3A_16 = arith.cmpi slt, %rem3A_12, %lt3A_15 : vector<4000x128xi32>
    %lt3A_17 = arith.constant 0 : i32
    %lt3A_18 = arith.cmpi slt, %select_n3A, %lt3A_17 : i32
    %ne3A_19 = vector.broadcast %lt3A_18 : i1 to vector<4000x128xi1>
    %ne3A_20 = vector.broadcast %ne3A_19 : vector<4000x128xi1> to vector<4000x128xi1>
    %ne3A_21 = arith.xori %lt3A_16, %ne3A_20 : vector<4000x128xi1>
    %and3A = arith.andi %ne3A_21, %ne3A_14 : vector<4000x128xi1>
    %add3A = vector.broadcast %select_n3A : i32 to vector<4000x128xi32>
    %add3A_22 = arith.addi %rem3A_12, %add3A : vector<4000x128xi32>
    %select_n3A_23 = arith.select %and3A, %add3A_22, %rem3A_12 : vector<4000x128xi1>, vector<4000x128xi32>
    %lt3A_24 = arith.constant 16 : i32
    %lt3A_25 = vector.broadcast %lt3A_24 : i32 to vector<4000x128xi32>
    %lt3A_26 = arith.cmpi slt, %select_n3A_23, %lt3A_25 : vector<4000x128xi32>
    %add3A_27 = arith.addf %get3A_1, %reshape3A : vector<4000x128xf32>
    %max3A = arith.constant 0.000000e+00 : f32
    %max3A_28 = vector.broadcast %max3A : f32 to vector<4000x128xf32>
    %max3A_29 = arith.maximumf %add3A_27, %max3A_28 : vector<4000x128xf32>
    %select_n3A_30 = arith.select %lt3A_26, %max3A_29, %get3A_1 : vector<4000x128xi1>, vector<4000x128xf32>
    %convert_element_type3A = arith.truncf %select_n3A_30 : vector<4000x128xf32> to vector<4000x128xbf16>
    %get3A_31 = arith.constant 0 : index
    %get3A_32 = arith.constant 0 : index
    %get3A_33 = vector.load %arg4[%get3A_31, %get3A_32] : memref<128x128xbf16, #tpu.memory_space<vmem>>, vector<128x128xbf16>
    %dot_general3A = arith.constant dense<0.000000e+00> : vector<4000x128xf32>
    %dot_general3A_34 = tpu.matmul %convert_element_type3A, %get3A_33, %dot_general3A {dimension_numbers = #tpu.dot_dimension_numbers<[1], [0], [0], [1], [0, 0, 1, 1], [], []>, transpose_lhs_hint = false} : vector<4000x128xbf16>, vector<128x128xbf16>, vector<4000x128xf32> -> vector<4000x128xf32>
    %get3A_35 = arith.constant 0 : index
    %get3A_36 = arith.constant 0 : index
    %get3A_37 = vector.load %arg5[%get3A_35, %get3A_36] : memref<1x128xf32, #tpu.memory_space<vmem>>, vector<1x128xf32>
    %add3A_38 = vector.broadcast %get3A_37 : vector<1x128xf32> to vector<4000x128xf32>
    %add3A_39 = arith.addf %dot_general3A_34, %add3A_38 : vector<4000x128xf32>
    %max3A_40 = arith.constant 0.000000e+00 : f32
    %max3A_41 = vector.broadcast %max3A_40 : f32 to vector<4000x128xf32>
    %max3A_42 = arith.maximumf %add3A_39, %max3A_41 : vector<4000x128xf32>
    %jit3A_43 = arith.constant 0.000000e+00 : f32
    %broadcast_in_dim3A_44 = vector.broadcast %jit3A_43 : f32 to vector<4000x128xf32>
    %select_n3A_45 = arith.select %lt3A_26, %max3A_42, %broadcast_in_dim3A_44 : vector<4000x128xi1>, vector<4000x128xf32>
    %exp3A = math.exp %select_n3A_45 : vector<4000x128xf32>
    %convert_element_type3A_46 = arith.truncf %exp3A : vector<4000x128xf32> to vector<4000x128xbf16>
    %get3A_47 = arith.constant 0 : index
    %get3A_48 = arith.constant 0 : index
    %get3A_49 = vector.load %arg6[%get3A_47, %get3A_48] : memref<128x128xbf16, #tpu.memory_space<vmem>>, vector<128x128xbf16>
    %dot_general3A_50 = arith.constant dense<0.000000e+00> : vector<4000x128xf32>
    %dot_general3A_51 = tpu.matmul %convert_element_type3A_46, %get3A_49, %dot_general3A_50 {dimension_numbers = #tpu.dot_dimension_numbers<[1], [0], [0], [1], [0, 0, 1, 1], [], []>, transpose_lhs_hint = false} : vector<4000x128xbf16>, vector<128x128xbf16>, vector<4000x128xf32> -> vector<4000x128xf32>
    %reshape3A_52 = vector.shape_cast %dot_general3A_51 : vector<4000x128xf32> to vector<1000x4x128xf32>
    %reduce_sum3A = arith.constant dense<0.000000e+00> : vector<1000x128xf32>
    %reduce_sum3A_53 = vector.multi_reduction <add>, %reshape3A_52, %reduce_sum3A [1] : vector<1000x4x128xf32> to vector<1000x128xf32>
    %get3A_54 = arith.constant 0 : index
    %get3A_55 = arith.constant 0 : index
    %get3A_56 = vector.load %arg7[%get3A_54, %get3A_55] : memref<128x128xbf16, #tpu.memory_space<vmem>>, vector<128x128xbf16>
    %dot_general3A_57 = arith.constant dense<0.000000e+00> : vector<4000x128xf32>
    %dot_general3A_58 = tpu.matmul %convert_element_type3A, %get3A_56, %dot_general3A_57 {dimension_numbers = #tpu.dot_dimension_numbers<[1], [0], [0], [1], [0, 0, 1, 1], [], []>, transpose_lhs_hint = false} : vector<4000x128xbf16>, vector<128x128xbf16>, vector<4000x128xf32> -> vector<4000x128xf32>
    %mul3A = arith.mulf %exp3A, %dot_general3A_58 : vector<4000x128xf32>
    %convert_element_type3A_59 = arith.truncf %mul3A : vector<4000x128xf32> to vector<4000x128xbf16>
    %get3A_60 = arith.constant 0 : index
    %get3A_61 = arith.constant 0 : index
    %get3A_62 = vector.load %arg6[%get3A_60, %get3A_61] : memref<128x128xbf16, #tpu.memory_space<vmem>>, vector<128x128xbf16>
    %dot_general3A_63 = arith.constant dense<0.000000e+00> : vector<4000x128xf32>
    %dot_general3A_64 = tpu.matmul %convert_element_type3A_59, %get3A_62, %dot_general3A_63 {dimension_numbers = #tpu.dot_dimension_numbers<[1], [0], [0], [1], [0, 0, 1, 1], [], []>, transpose_lhs_hint = false} : vector<4000x128xbf16>, vector<128x128xbf16>, vector<4000x128xf32> -> vector<4000x128xf32>
    %reshape3A_65 = vector.shape_cast %dot_general3A_64 : vector<4000x128xf32> to vector<1000x4x128xf32>
    %reduce_sum3A_66 = arith.constant dense<0.000000e+00> : vector<1000x128xf32>
    %reduce_sum3A_67 = vector.multi_reduction <add>, %reshape3A_65, %reduce_sum3A_66 [1] : vector<1000x4x128xf32> to vector<1000x128xf32>
    %slice3A = vector.extract_strided_slice %reduce_sum3A_67 {offsets = [0, 0], sizes = [1000, 16], strides = [1, 1]} : vector<1000x128xf32> to vector<1000x16xf32>
    %slice3A_68 = vector.extract_strided_slice %reduce_sum3A_53 {offsets = [0, 0], sizes = [1000, 16], strides = [1, 1]} : vector<1000x128xf32> to vector<1000x16xf32>
    %div3A = arith.divf %slice3A, %slice3A_68 : vector<1000x16xf32>
    %get3A_69 = arith.constant 0 : index
    %get3A_70 = arith.constant 0 : index
    %get3A_71 = vector.load %arg8[%get3A_69, %get3A_70] : memref<16x64xf32, #tpu.memory_space<vmem>>, vector<16x64xf32>
    %dot_general3A_72 = arith.constant dense<0.000000e+00> : vector<1000x64xf32>
    %dot_general3A_73 = tpu.matmul %div3A, %get3A_71, %dot_general3A_72 {dimension_numbers = #tpu.dot_dimension_numbers<[1], [0], [0], [1], [0, 0, 1, 1], [], []>, transpose_lhs_hint = false} : vector<1000x16xf32>, vector<16x64xf32>, vector<1000x64xf32> -> vector<1000x64xf32>
    %get3A_74 = arith.constant 0 : index
    %get3A_75 = arith.constant 0 : index
    %get3A_76 = vector.load %arg3[%get3A_74, %get3A_75] : memref<1000x64xf32, #tpu.memory_space<vmem>>, vector<1000x64xf32>
    %add3A_77 = arith.addf %dot_general3A_73, %get3A_76 : vector<1000x64xf32>
    %swap3A = arith.constant 0 : index
    %swap3A_78 = arith.constant 0 : index
    %swap3A_79 = vector.load %arg9[%swap3A, %swap3A_78] : memref<1000x64xf32, #tpu.memory_space<vmem>>, vector<1000x64xf32>
    tpu.vector_store %arg9[%swap3A, %swap3A_78], %add3A_77 {strides = array<i32>} : memref<1000x64xf32, #tpu.memory_space<vmem>>, vector<1000x64xf32>,
    return
  }
  func.func @transform_0(%arg0: i32) -> (i32, i32) {
    %c0_i32 = arith.constant 0 : i32
    %c0_i32_0 = arith.constant 0 : i32
    return %arg0, %c0_i32 : i32, i32
  }
  func.func @transform_1(%arg0: i32) -> (i32, i32) {
    %add3A = arith.constant 25 : i32
    %add3A_0 = arith.addi %arg0, %add3A : i32
    %c0_i32 = arith.constant 0 : i32
    %c0_i32_1 = arith.constant 0 : i32
    return %add3A_0, %c0_i32 : i32, i32
  }
  func.func @transform_2(%arg0: i32) -> (i32, i32) {
    %add3A = arith.constant 25 : i32
    %add3A_0 = arith.addi %arg0, %add3A : i32
    %c0_i32 = arith.constant 0 : i32
    %c0_i32_1 = arith.constant 0 : i32
    return %add3A_0, %c0_i32 : i32, i32
  }
  func.func @transform_3(%arg0: i32) -> (i32, i32) {
    %c0_i32 = arith.constant 0 : i32
    %c0_i32_0 = arith.constant 0 : i32
    %c0_i32_1 = arith.constant 0 : i32
    return %c0_i32, %c0_i32_0 : i32, i32
  }
  func.func @transform_4(%arg0: i32) -> (i32, i32) {
    %c0_i32 = arith.constant 0 : i32
    %c0_i32_0 = arith.constant 0 : i32
    %c0_i32_1 = arith.constant 0 : i32
    return %c0_i32, %c0_i32_0 : i32, i32
  }
  func.func @transform_5(%arg0: i32) -> (i32, i32) {
    %c0_i32 = arith.constant 0 : i32
    %c0_i32_0 = arith.constant 0 : i32
    %c0_i32_1 = arith.constant 0 : i32
    return %c0_i32, %c0_i32_0 : i32, i32
  }
  func.func @transform_6(%arg0: i32) -> (i32, i32) {
    %c0_i32 = arith.constant 0 : i32
    %c0_i32_0 = arith.constant 0 : i32
    %c0_i32_1 = arith.constant 0 : i32
    return %c0_i32, %c0_i32_0 : i32, i32
  }
  func.func @transform_7(%arg0: i32) -> (i32, i32) {
    %c0_i32 = arith.constant 0 : i32
    %c0_i32_0 = arith.constant 0 : i32
    %c0_i32_1 = arith.constant 0 : i32
    return %c0_i32, %c0_i32_0 : i32, i32
  }
  func.func @transform_8(%arg0: i32) -> (i32, i32) {
    %c0_i32 = arith.constant 0 : i32
    %c0_i32_0 = arith.constant 0 : i32
    return %arg0, %c0_i32 : i32, i32
  }
}

module attributes {stable_mosaic.version = 14 : i64} {
  func.func @_tc2_body(%arg0: i32, %arg1: memref<4000x128xf32, #tpu.memory_space<vmem>>, %arg2: memref<1000x16xf32, #tpu.memory_space<vmem>>, %arg3: memref<1000x64xf32, #tpu.memory_space<vmem>>, %arg4: memref<128x128xbf16, #tpu.memory_space<vmem>>, %arg5: memref<1x128xf32, #tpu.memory_space<vmem>>, %arg6: memref<128x128xbf16, #tpu.memory_space<vmem>>, %arg7: memref<128x128xbf16, #tpu.memory_space<vmem>>, %arg8: memref<16x64xf32, #tpu.memory_space<vmem>>, %arg9: memref<1000x64xf32, #tpu.memory_space<vmem>>) attributes {dimension_semantics = [#tpu.dimension_semantics<arbitrary>], iteration_bounds = array<i64: 25>, scalar_prefetch = 0 : i64, scratch_operands = 0 : i64, tpu.core_type = #tpu.core_type<tc>, window_params = [{transform_indices = @transform_0, window_bounds = array<i64: 4000, 128>}, {transform_indices = @transform_1, window_bounds = array<i64: 1000, 16>}, {transform_indices = @transform_2, window_bounds = array<i64: 1000, 64>}, {pipeline_mode = #tpu.pipeline_mode<synchronous>, transform_indices = @transform_3, window_bounds = array<i64: 128, 128>}, {pipeline_mode = #tpu.pipeline_mode<synchronous>, transform_indices = @transform_4, window_bounds = array<i64: 1, 128>}, {pipeline_mode = #tpu.pipeline_mode<synchronous>, transform_indices = @transform_5, window_bounds = array<i64: 128, 128>}, {pipeline_mode = #tpu.pipeline_mode<synchronous>, transform_indices = @transform_6, window_bounds = array<i64: 128, 128>}, {pipeline_mode = #tpu.pipeline_mode<synchronous>, transform_indices = @transform_7, window_bounds = array<i64: 16, 64>}, {transform_indices = @transform_8, window_bounds = array<i64: 1000, 64>}]} {
    %get3A = arith.constant 0 : index
    %get3A_0 = arith.constant 0 : index
    %get3A_1 = vector.load %arg1[%get3A, %get3A_0] : memref<4000x128xf32, #tpu.memory_space<vmem>>, vector<4000x128xf32>
    %get3A_2 = arith.constant 0 : index
    %get3A_3 = arith.constant 0 : index
    %get3A_4 = vector.load %arg2[%get3A_2, %get3A_3] : memref<1000x16xf32, #tpu.memory_space<vmem>>, vector<1000x16xf32>
    %broadcast_in_dim3A = arith.constant 0.000000e+00 : f32
    %broadcast_in_dim3A_5 = vector.broadcast %broadcast_in_dim3A : f32 to vector<1000x16xf32>
    %concatenate3A = tpu.concatenate %get3A_4, %broadcast_in_dim3A_5 in 1 : vector<1000x16xf32>, vector<1000x16xf32> -> vector<1000x32xf32>
    %concatenate3A_6 = tpu.concatenate %concatenate3A, %concatenate3A, %concatenate3A, %concatenate3A in 1 : vector<1000x32xf32>, vector<1000x32xf32>, vector<1000x32xf32>, vector<1000x32xf32> -> vector<1000x128xf32>
    %broadcast_in_dim3A_7 = vector.shape_cast %concatenate3A_6 : vector<1000x128xf32> to vector<1000x1x128xf32>
    %broadcast_in_dim3A_8 = vector.shape_cast %broadcast_in_dim3A_7 : vector<1000x1x128xf32> to vector<1000x1x128xf32>
    %broadcast_in_dim3A_9 = vector.broadcast %broadcast_in_dim3A_8 : vector<1000x1x128xf32> to vector<1000x4x128xf32>
    %reshape3A = vector.shape_cast %broadcast_in_dim3A_9 : vector<1000x4x128xf32> to vector<4000x128xf32>
    %iota3A = tpu.iota {dimensions = array<i32: 1>} : vector<4000x128xi32>
    %jit3A = arith.constant 32 : i32
    %eq3A = arith.constant 0 : i32
    %eq3A_10 = arith.cmpi eq, %jit3A, %eq3A : i32
    %jit3A_11 = arith.constant 1 : i32
    %select_n3A = arith.select %eq3A_10, %jit3A_11, %jit3A : i32
    %rem3A = vector.broadcast %select_n3A : i32 to vector<4000x128xi32>
    %rem3A_12 = arith.remsi %iota3A, %rem3A : vector<4000x128xi32>
    %ne3A = arith.constant 0 : i32
    %ne3A_13 = vector.broadcast %ne3A : i32 to vector<4000x128xi32>
    %ne3A_14 = arith.cmpi ne, %rem3A_12, %ne3A_13 : vector<4000x128xi32>
    %lt3A = arith.constant 0 : i32
    %lt3A_15 = vector.broadcast %lt3A : i32 to vector<4000x128xi32>
    %lt3A_16 = arith.cmpi slt, %rem3A_12, %lt3A_15 : vector<4000x128xi32>
    %lt3A_17 = arith.constant 0 : i32
    %lt3A_18 = arith.cmpi slt, %select_n3A, %lt3A_17 : i32
    %ne3A_19 = vector.broadcast %lt3A_18 : i1 to vector<4000x128xi1>
    %ne3A_20 = vector.broadcast %ne3A_19 : vector<4000x128xi1> to vector<4000x128xi1>
    %ne3A_21 = arith.xori %lt3A_16, %ne3A_20 : vector<4000x128xi1>
    %and3A = arith.andi %ne3A_21, %ne3A_14 : vector<4000x128xi1>
    %add3A = vector.broadcast %select_n3A : i32 to vector<4000x128xi32>
    %add3A_22 = arith.addi %rem3A_12, %add3A : vector<4000x128xi32>
    %select_n3A_23 = arith.select %and3A, %add3A_22, %rem3A_12 : vector<4000x128xi1>, vector<4000x128xi32>
    %lt3A_24 = arith.constant 16 : i32
    %lt3A_25 = vector.broadcast %lt3A_24 : i32 to vector<4000x128xi32>
    %lt3A_26 = arith.cmpi slt, %select_n3A_23, %lt3A_25 : vector<4000x128xi32>
    %add3A_27 = arith.addf %get3A_1, %reshape3A : vector<4000x128xf32>
    %max3A = arith.constant 0.000000e+00 : f32
    %max3A_28 = vector.broadcast %max3A : f32 to vector<4000x128xf32>
    %max3A_29 = arith.maximumf %add3A_27, %max3A_28 : vector<4000x128xf32>
    %select_n3A_30 = arith.select %lt3A_26, %max3A_29, %get3A_1 : vector<4000x128xi1>, vector<4000x128xf32>
    %convert_element_type3A = arith.truncf %select_n3A_30 : vector<4000x128xf32> to vector<4000x128xbf16>
    %get3A_31 = arith.constant 0 : index
    %get3A_32 = arith.constant 0 : index
    %get3A_33 = vector.load %arg4[%get3A_31, %get3A_32] : memref<128x128xbf16, #tpu.memory_space<vmem>>, vector<128x128xbf16>
    %dot_general3A = arith.constant dense<0.000000e+00> : vector<4000x128xf32>
    %dot_general3A_34 = tpu.matmul %convert_element_type3A, %get3A_33, %dot_general3A {dimension_numbers = #tpu.dot_dimension_numbers<[1], [0], [0], [1], [0, 0, 1, 1], [], []>, transpose_lhs_hint = false} : vector<4000x128xbf16>, vector<128x128xbf16>, vector<4000x128xf32> -> vector<4000x128xf32>
    %get3A_35 = arith.constant 0 : index
    %get3A_36 = arith.constant 0 : index
    %get3A_37 = vector.load %arg5[%get3A_35, %get3A_36] : memref<1x128xf32, #tpu.memory_space<vmem>>, vector<1x128xf32>
    %add3A_38 = vector.broadcast %get3A_37 : vector<1x128xf32> to vector<4000x128xf32>
    %add3A_39 = arith.addf %dot_general3A_34, %add3A_38 : vector<4000x128xf32>
    %max3A_40 = arith.constant 0.000000e+00 : f32
    %max3A_41 = vector.broadcast %max3A_40 : f32 to vector<4000x128xf32>
    %max3A_42 = arith.maximumf %add3A_39, %max3A_41 : vector<4000x128xf32>
    %jit3A_43 = arith.constant 0.000000e+00 : f32
    %broadcast_in_dim3A_44 = vector.broadcast %jit3A_43 : f32 to vector<4000x128xf32>
    %select_n3A_45 = arith.select %lt3A_26, %max3A_42, %broadcast_in_dim3A_44 : vector<4000x128xi1>, vector<4000x128xf32>
    %exp3A = math.exp %select_n3A_45 : vector<4000x128xf32>
    %convert_element_type3A_46 = arith.truncf %exp3A : vector<4000x128xf32> to vector<4000x128xbf16>
    %get3A_47 = arith.constant 0 : index
    %get3A_48 = arith.constant 0 : index
    %get3A_49 = vector.load %arg6[%get3A_47, %get3A_48] : memref<128x128xbf16, #tpu.memory_space<vmem>>, vector<128x128xbf16>
    %dot_general3A_50 = arith.constant dense<0.000000e+00> : vector<4000x128xf32>
    %dot_general3A_51 = tpu.matmul %convert_element_type3A_46, %get3A_49, %dot_general3A_50 {dimension_numbers = #tpu.dot_dimension_numbers<[1], [0], [0], [1], [0, 0, 1, 1], [], []>, transpose_lhs_hint = false} : vector<4000x128xbf16>, vector<128x128xbf16>, vector<4000x128xf32> -> vector<4000x128xf32>
    %reshape3A_52 = vector.shape_cast %dot_general3A_51 : vector<4000x128xf32> to vector<1000x4x128xf32>
    %reduce_sum3A = arith.constant dense<0.000000e+00> : vector<1000x128xf32>
    %reduce_sum3A_53 = vector.multi_reduction <add>, %reshape3A_52, %reduce_sum3A [1] : vector<1000x4x128xf32> to vector<1000x128xf32>
    %get3A_54 = arith.constant 0 : index
    %get3A_55 = arith.constant 0 : index
    %get3A_56 = vector.load %arg7[%get3A_54, %get3A_55] : memref<128x128xbf16, #tpu.memory_space<vmem>>, vector<128x128xbf16>
    %dot_general3A_57 = arith.constant dense<0.000000e+00> : vector<4000x128xf32>
    %dot_general3A_58 = tpu.matmul %convert_element_type3A, %get3A_56, %dot_general3A_57 {dimension_numbers = #tpu.dot_dimension_numbers<[1], [0], [0], [1], [0, 0, 1, 1], [], []>, transpose_lhs_hint = false} : vector<4000x128xbf16>, vector<128x128xbf16>, vector<4000x128xf32> -> vector<4000x128xf32>
    %mul3A = arith.mulf %exp3A, %dot_general3A_58 : vector<4000x128xf32>
    %convert_element_type3A_59 = arith.truncf %mul3A : vector<4000x128xf32> to vector<4000x128xbf16>
    %get3A_60 = arith.constant 0 : index
    %get3A_61 = arith.constant 0 : index
    %get3A_62 = vector.load %arg6[%get3A_60, %get3A_61] : memref<128x128xbf16, #tpu.memory_space<vmem>>, vector<128x128xbf16>
    %dot_general3A_63 = arith.constant dense<0.000000e+00> : vector<4000x128xf32>
    %dot_general3A_64 = tpu.matmul %convert_element_type3A_59, %get3A_62, %dot_general3A_63 {dimension_numbers = #tpu.dot_dimension_numbers<[1], [0], [0], [1], [0, 0, 1, 1], [], []>, transpose_lhs_hint = false} : vector<4000x128xbf16>, vector<128x128xbf16>, vector<4000x128xf32> -> vector<4000x128xf32>
    %reshape3A_65 = vector.shape_cast %dot_general3A_64 : vector<4000x128xf32> to vector<1000x4x128xf32>
    %reduce_sum3A_66 = arith.constant dense<0.000000e+00> : vector<1000x128xf32>
    %reduce_sum3A_67 = vector.multi_reduction <add>, %reshape3A_65, %reduce_sum3A_66 [1] : vector<1000x4x128xf32> to vector<1000x128xf32>
    %slice3A = vector.extract_strided_slice %reduce_sum3A_67 {offsets = [0, 0], sizes = [1000, 16], strides = [1, 1]} : vector<1000x128xf32> to vector<1000x16xf32>
    %slice3A_68 = vector.extract_strided_slice %reduce_sum3A_53 {offsets = [0, 0], sizes = [1000, 16], strides = [1, 1]} : vector<1000x128xf32> to vector<1000x16xf32>
    %div3A = arith.divf %slice3A, %slice3A_68 : vector<1000x16xf32>
    %get3A_69 = arith.constant 0 : index
    %get3A_70 = arith.constant 0 : index
    %get3A_71 = vector.load %arg8[%get3A_69, %get3A_70] : memref<16x64xf32, #tpu.memory_space<vmem>>, vector<16x64xf32>
    %dot_general3A_72 = arith.constant dense<0.000000e+00> : vector<1000x64xf32>
    %dot_general3A_73 = tpu.matmul %div3A, %get3A_71, %dot_general3A_72 {dimension_numbers = #tpu.dot_dimension_numbers<[1], [0], [0], [1], [0, 0, 1, 1], [], []>, transpose_lhs_hint = false} : vector<1000x16xf32>, vector<16x64xf32>, vector<1000x64xf32> -> vector<1000x64xf32>
    %get3A_74 = arith.constant 0 : index
    %get3A_75 = arith.constant 0 : index
    %get3A_76 = vector.load %arg3[%get3A_74, %get3A_75] : memref<1000x64xf32, #tpu.memory_space<vmem>>, vector<1000x64xf32>
    %add3A_77 = arith.addf %dot_general3A_73, %get3A_76 : vector<1000x64xf32>
    %swap3A = arith.constant 0 : index
    %swap3A_78 = arith.constant 0 : index
    %swap3A_79 = vector.load %arg9[%swap3A, %swap3A_78] : memref<1000x64xf32, #tpu.memory_space<vmem>>, vector<1000x64xf32>
    tpu.vector_store %arg9[%swap3A, %swap3A_78], %add3A_77 {strides = array<i32>} : memref<1000x64xf32, #tpu.memory_space<vmem>>, vector<1000x64xf32>,
    return
  }
  func.func @transform_0(%arg0: i32) -> (i32, i32) {
    %c0_i32 = arith.constant 0 : i32
    %c0_i32_0 = arith.constant 0 : i32
    return %arg0, %c0_i32 : i32, i32
  }
  func.func @transform_1(%arg0: i32) -> (i32, i32) {
    %add3A = arith.constant 0 : i32
    %add3A_0 = arith.addi %arg0, %add3A : i32
    %c0_i32 = arith.constant 0 : i32
    %c0_i32_1 = arith.constant 0 : i32
    return %add3A_0, %c0_i32 : i32, i32
  }
  func.func @transform_2(%arg0: i32) -> (i32, i32) {
    %add3A = arith.constant 0 : i32
    %add3A_0 = arith.addi %arg0, %add3A : i32
    %c0_i32 = arith.constant 0 : i32
    %c0_i32_1 = arith.constant 0 : i32
    return %add3A_0, %c0_i32 : i32, i32
  }
  func.func @transform_3(%arg0: i32) -> (i32, i32) {
    %c0_i32 = arith.constant 0 : i32
    %c0_i32_0 = arith.constant 0 : i32
    %c0_i32_1 = arith.constant 0 : i32
    return %c0_i32, %c0_i32_0 : i32, i32
  }
  func.func @transform_4(%arg0: i32) -> (i32, i32) {
    %c0_i32 = arith.constant 0 : i32
    %c0_i32_0 = arith.constant 0 : i32
    %c0_i32_1 = arith.constant 0 : i32
    return %c0_i32, %c0_i32_0 : i32, i32
  }
  func.func @transform_5(%arg0: i32) -> (i32, i32) {
    %c0_i32 = arith.constant 0 : i32
    %c0_i32_0 = arith.constant 0 : i32
    %c0_i32_1 = arith.constant 0 : i32
    return %c0_i32, %c0_i32_0 : i32, i32
  }
  func.func @transform_6(%arg0: i32) -> (i32, i32) {
    %c0_i32 = arith.constant 0 : i32
    %c0_i32_0 = arith.constant 0 : i32
    %c0_i32_1 = arith.constant 0 : i32
    return %c0_i32, %c0_i32_0 : i32, i32
  }
  func.func @transform_7(%arg0: i32) -> (i32, i32) {
    %c0_i32 = arith.constant 0 : i32
    %c0_i32_0 = arith.constant 0 : i32
    %c0_i32_1 = arith.constant 0 : i32
    return %c0_i32, %c0_i32_0 : i32, i32
  }
  func.func @transform_8(%arg0: i32) -> (i32, i32) {
    %c0_i32 = arith.constant 0 : i32
    %c0_i32_0 = arith.constant 0 : i32
    return %arg0, %c0_i32 : i32, i32
  }
}

</mosaic_0001>

<sc_bundles>
// kernel: kernel.10.cloned.1.call-start
scs
__scs_entry_jumppad:
0x0: {  	(pc) =	sbr.rel $0x88, $3  }
0x1: {  	(tag) =	ssettag $0x0;
	lr =	simm.s32 $0x1  }
0x2: {  	[smem:$0x3F86] =	sst lr;
	_ =	strace $0xD0000000  }
0x3: {  	_ = 	snop  }
0x4: {  	_ = 	snop  }
0x5: {  	_ = 	snop  }
0x6: {  	_ = 	snop  }
0x7: {  	_ = 	snop  }
__scs_overlays_trampoline_lowered:
0x8: {  	[smem:$0x3F95] =	sst s0  }
0x9: {  	[smem:$0x3F96] =	sst s1  }
0xa: {  	[smem:$0x3F97] =	sst s2  }
0xb: {  	[smem:$0x3F98] =	sst s3  }
0xc: {  	[smem:$0x3F99] =	sst s4  }
0xd: {  	[smem:$0x3F9A] =	sst s5  }
0xe: {  	[smem:$0x3F9B] =	sst s6  }
0xf: {  	[smem:$0x3F9C] =	sst s7  }
0x10: {  	[smem:$0x3F9D] =	sst s8  }
0x11: {  	[smem:$0x3F9E] =	sst s9;
	s0 =	simm.s32 @!p0 $0x0  }
0x12: {  	s1 =	sld [smem:$0x3F84];
	s0 =	simm.s32 @p0 $0x1  }
0x13: {  	[smem:$0x3F9F] =	sst s0;
	s0 =	simm.s32 @!p1 $0x0  }
0x14: {  	s2 =	sld [smem:$0x3F83];
	s0 =	simm.s32 @p1 $0x1  }
0x15: {  	[smem:$0x3FA0] =	sst s0;
	s0 =	simm.s32 @!p2 $0x0  }
0x16: {  	s3 =	sld [smem:$0x3FDB];
	s0 =	simm.s32 @p2 $0x1  }
0x17: {  	s4 =	simm.s32 $0x1BF5;
	[smem:$0x3FA2] =	sst s0  }
0x18: {  	s0 =	sld [smem:$0x3F85];
	_ =	swait.ge [sflag:s4], $0x0  }
0x19: {  	s7 =	sld [smem:$0x3F86]  }
0x1a: {  	s8 =	sadd.s32 $0xFFFFE003, lr  }
0x1b: {  	s9 =	sadd.s32 $0xFFFFFEF7, lr;
	s5 =	simm.s32 $0xFFFFFFFF;
	p2 =	slt.u32 s8, $0xFFFFF086  }
0x1c: {  	p1 =	slt.u32 s9, $0xF7A;
	s5 =	simm.s32 @!p2 $0x0  }
0x1d: {  	s5 =	simm.s32 @p1 $0x1;
	p0 =	seq.s32 s7, s2  }
0x1e: {  	s7 =	smul.u32 @!p0 $0xF7A, s2;
	p2 =	seq.s32 @!p0 s5, $0x0  }
0x1f: {  	s9 =	smul.u32 $0xF7A, s1;
	s8 =	simm.s32 @!p0 $0x1BF5;
	p2 =	por !p2, p0  }
0x20: {  	[sflag:s8] =	ssyncset.s32 @!p0 $0xFFFFF086;
	s6 =	sadd.s32 @!p0 s3, s7;
	s7 =	simm.s32 @!p0 $0x108  }
0x21: {  	s3 =	sadd.s32 s3, s9;
	s6 =	sadd.s32 @!p0 $0x88, s6;
	s7 =	simm.s32 @p2 $0x1082  }
0x22: {  	[simem:s7], [sflag:s8] =	dma.local @!p0 [hbm:s6], $0xF7A  }
0x23: {  	s9 =	sor.u32 $0xD0000000, s2;
	s6 =	simm.s32 $0x108;
	_ =	swait.ge @!p0 [sflag:s8], $0x0  }
0x24: {  	s3 =	sadd.s32 $0x88, s3;
	s6 =	simm.s32 @!p1 $0x1082;
	[sflag:s4] =	ssyncset.s32 $0xFFFFF086  }
0x25: {  	[simem:s6], [sflag:s4] =	dma.local [hbm:s3], $0xF7A  }
0x26: {  	[smem:$0x3F86] =	sst s1;
	(tag) =	ssettag s2;
	_ =	strace s9  }
0x27: {  	s1 =	sld [smem:$0x3F96]  }
0x28: {  	s2 =	sld [smem:$0x3F97]  }
0x29: {  	s4 =	sld [smem:$0x3F99]  }
0x2a: {  	p0 =	seq.s32 s5, $0x0;
	s5 =	sld [smem:$0x3F9A]  }
0x2b: {  	s6 =	sld [smem:$0x3F9B]  }
0x2c: {  	s7 =	sld [smem:$0x3F9C]  }
0x2d: {  	s3 =	simm.s32 $0x108;
	s8 =	sld [smem:$0x3F9D]  }
0x2e: {  	s3 =	simm.s32 @!p0 $0x1082;
	s9 =	sld [smem:$0x3F9E]  }
0x2f: {  	lr =	sadd.s32 s0, s3;
	s0 =	sld [smem:$0x3F95]  }
0x30: {  	s3 =	sld [smem:$0x3F98]  }
0x31: {  	[smem:$0x3FA1] =	sst s10  }
0x32: {  	s10 =	sld [smem:$0x3F9F];
	_ =	sdelay $0x3  }
0x33: {  	p0 =	seq.s32 s10, $0x1;
	s10 =	sld [smem:$0x3FA1];
	_ =	sdelay $0x3  }
0x34: {  	[smem:$0x3FA1] =	sst s10  }
0x35: {  	s10 =	sld [smem:$0x3FA0];
	_ =	sdelay $0x3  }
0x36: {  	p1 =	seq.s32 s10, $0x1;
	s10 =	sld [smem:$0x3FA1];
	_ =	sdelay $0x3  }
0x37: {  	[smem:$0x3FA1] =	sst s10  }
0x38: {  	s10 =	sld [smem:$0x3FA2]  }
0x39: {  	_ = 	snop;
	(pc) =	sbr.ind lr, $3  }
0x3a: {  	_ = 	snop  }
0x3b: {  	_ = 	snop  }
0x3c: {  	p2 =	seq.s32 s10, $0x1;
	s10 =	sld [smem:$0x3FA1]  }
0x3d: {  	_ =	shalt  }
0x3e: {  	_ =	shalt  }
0x3f: {  	_ =	shalt  }
0x40: {  	_ =	shalt  }
0x41: {  	_ =	shalt  }
0x42: {  	_ =	shalt  }
0x43: {  	_ =	shalt  }
0x44: {  	_ =	shalt  }
0x45: {  	_ =	shalt  }
0x46: {  	_ =	shalt  }
0x47: {  	_ =	shalt  }
0x48: {  	_ =	shalt  }
0x49: {  	_ =	shalt  }
0x4a: {  	_ =	shalt  }
0x4b: {  	_ =	shalt  }
0x4c: {  	_ =	shalt  }
0x4d: {  	_ =	shalt  }
0x4e: {  	_ =	shalt  }
0x4f: {  	_ =	shalt  }
0x50: {  	_ =	shalt  }
0x51: {  	_ =	shalt  }
0x52: {  	_ =	shalt  }
0x53: {  	_ =	shalt  }
0x54: {  	_ =	shalt  }
0x55: {  	_ =	shalt  }
0x56: {  	_ =	shalt  }
0x57: {  	_ =	shalt  }
0x58: {  	_ =	shalt  }
0x59: {  	_ =	shalt  }
0x5a: {  	_ =	shalt  }
0x5b: {  	_ =	shalt  }
0x5c: {  	_ =	shalt  }
0x5d: {  	_ =	shalt  }
0x5e: {  	_ =	shalt  }
0x5f: {  	_ =	shalt  }
0x60: {  	_ =	shalt  }
0x61: {  	_ =	shalt  }
0x62: {  	_ =	shalt  }
0x63: {  	_ =	shalt  }
0x64: {  	_ =	shalt  }
0x65: {  	_ =	shalt  }
0x66: {  	_ =	shalt  }
0x67: {  	_ =	shalt  }
0x68: {  	_ =	shalt  }
0x69: {  	_ =	shalt  }
0x6a: {  	_ =	shalt  }
0x6b: {  	_ =	shalt  }
0x6c: {  	_ =	shalt  }
0x6d: {  	_ =	shalt  }
0x6e: {  	_ =	shalt  }
0x6f: {  	_ =	shalt  }
0x70: {  	_ =	shalt  }
0x71: {  	_ =	shalt  }
0x72: {  	_ =	shalt  }
0x73: {  	_ =	shalt  }
0x74: {  	_ =	shalt  }
0x75: {  	_ =	shalt  }
0x76: {  	_ =	shalt  }
0x77: {  	_ =	shalt  }
0x78: {  	_ =	shalt  }
0x79: {  	_ =	shalt  }
0x7a: {  	_ =	shalt  }
0x7b: {  	_ =	shalt  }
0x7c: {  	_ =	shalt  }
0x7d: {  	_ =	shalt  }
0x7e: {  	_ =	shalt  }
0x7f: {  	_ =	shalt  }
0x80: {  	_ =	shalt  }
0x81: {  	_ =	shalt  }
0x82: {  	_ =	shalt  }
0x83: {  	_ =	shalt  }
0x84: {  	_ =	shalt  }
0x85: {  	_ =	shalt  }
0x86: {  	_ =	shalt  }
0x87: {  	_ =	shalt  }
.Lfunc_end0:
.L_simem_size_0:
called_computation.1_lowered:
.L_overlay_start_0:
0x88: {  	s2 =	sld [smem:$0x3FD9]  }
0x89: {  	s3 =	sld [smem:$0x3FFE];
	_ =	sdelay $0x1  }
0x8a: {  	s1 =	srdreg.scid  }
0x8b: {  	s0 =	sand.u32 $0x1, s1  }
0x8c: {  	s17 =	sshll.u32 s0, $0xA;
	s2 =	sadd.s32 s3, s2  }
0x8d: {  	s2 =	sadd.s32 s2, s17  }
0x8e: {  	[smem:$0x3FAD] =	sst s2  }
0x8f: {  	_ = 	snop  }
0x90: {  	s2 =	sld [smem:$0x3FD0];
	(tm) =	ssettm $0x1  }
0x91: {  	s18 =	sld [smem:$0x3FFB];
	_ =	sdelay $0x3  }
0x92: {  	_ =	strace s18  }
0x93: {  	s3 =	sld [smem:$0x3FFC];
	_ =	sdelay $0x3  }
0x94: {  	_ =	strace s3  }
0x95: {  	s3 =	sld [smem:$0x3FFD];
	_ =	sdelay $0x3  }
0x96: {  	_ =	strace s3  }
0x97: {  	_ =	strace $0x8FFFFFFF  }
0x98: {  	s19 =	sld [smem:$0x3FDB];
	_ =	sdelay $0x1  }
0x99: {  	s4 =	simm.s32 $_scs_section_size  }
0x9a: {  	s5 =	simm.s32 $_size__tile_overlayer_lowered;
	s6 =	simm.s32 $_tile_overlayer_lowered  }
0x9b: {  	s22 =	simm.s32 $0x1BFF;
	s21 =	sshll.u32 s6, $0x1;
	s3 =	sadd.s32 s4, s19  }
0x9c: {  	s7 =	simm.s32 $0x0;
	s20 =	sshll.u32 s5, $0x1;
	s5 =	sadd.s32 s21, s3  }
0x9d: {  	[timem:s7], [sflag:s22] =	dma.local [hbm:s5], s20  }
0x9e: {  	_ =	swait.ge [sflag:s22], s20  }
0x9f: {  	s4 =	ssub.s32 $0x0, s20;
	[sflag:s22] =	ssyncset.done $0x0  }
0xa0: {  	[sflag:s22] =	ssyncadd.s32 s4;
	_ =	sdelay $0x1  }
0xa1: {  	s23 =	simm.s32 $0x1B8B  }
0xa2: {  	_ =	swait.ge [sflag:s23], $0x1  }
0xa3: {  	[sflag:s23] =	ssyncset.done $0x0  }
0xa4: {  	s25 =	simm.s32 $0x1B8E;
	s24 =	sld [smem:$0x3FFE];
	[sflag:s23] =	ssyncadd.s32 $0xFFFFFFFF  }
0xa5: {  	s26 =	simm.s32 $execute0_lowered;
	[smem:$0x3FD2] =	sst s25  }
0xa6: {  	s5 =	sshll.u32 s26, $0x1;
	_ =	strace $0x80000046;
	[dreg:$0x1] =	wrdreg $0xFFFFFFFF  }
0xa7: {  	s28 =	simm.s32 $_size_execute0_lowered;
	s3 =	sadd.s32 s3, s5;
	[dreg:$0x0] =	wrdreg $0x0  }
0xa8: {  	s5 =	sshll.u32 s28, $0x1;
	[dreg:$0x2] =	wrdreg s3  }
0xa9: {  	[dreg:$0x3] =	wrdreg s5  }
0xaa: {  	[dreg:$0x4] =	wrdreg $0xC0  }
0xab: {  	_ =	task [dreg:s7], $0x5FFFF  }
0xac: {  	[dreg:$0x1] =	wrdreg $0xFFFFFFFF  }
0xad: {  	[dreg:$0x0] =	wrdreg $0x60  }
0xae: {  	[dreg:$0x2] =	wrdreg s2  }
0xaf: {  	[dreg:$0x3] =	wrdreg s24  }
0xb0: {  	[dreg:$0x4] =	wrdreg $0xA  }
0xb1: {  	_ =	task.clear_ibuf [dreg:s7], $0x5FFFF;
	_ =	strace $0x90000046  }
0xb2: {  	s29 =	simm.s32 $0xA;
	_ =	strace $0x8000004F  }
0xb3: {  	_ =	swait.ge [sflag:s29], $0x1  }
0xb4: {  	[sflag:s29] =	ssyncadd.s32 $0xFFFFFFFF  }
0xb5: {  	_ =	strace $0x9000004F  }
0xb6: {  	_ =	sfence  }
0xb7: {  	s30 =	sld [smem:$0x0];
	_ =	sdelay $0x2  }
0xb8: {  	s31 =	sshll.u32 s1, $0xD;
	s1 =	sshrl.u32 s1, $0x2  }
0xb9: {  	s3 =	sand.u32 $0x4000, s31;
	s1 =	sadd.s32 s1, s30  }
0xba: {  	s0 =	sor.u32 s3, s0;
	s1 =	sshll.u32 s1, $0x11  }
0xbb: {  	s0 =	sor.u32 s1, s0  }
0xbc: {  	s0 =	sadd.s32 $0x8F2B, s0  }
0xbd: {  	[sflag:s0] =	ssyncadd.remote.s32 $0x1  }
0xbe: {  	_ =	sfence.sel $0xFFFF  }
0xbf: {  	[dreg:$0x0] =	wrdreg $0xFFFFFFFF;
	(pc) =	sbr.abs _section_cstart, $3  }
0xc0: {  	[dreg:$0x1] =	wrdreg $0xFFFFFFFF  }
0xc1: {  	_ =	task.clear_ibuf [dreg:s7], $0x2FFFF;
	_ =	strace $0x9FFFFFFF  }
0xc2: {  	(tm) =	ssettm $0x7FFFFFFF  }
0xc3: {  	_ =	shalt  }
tec
execute0_lowered:
.L_overlay_start_1:
0x0: {  	(tag) =	ssettag $0x1  }
0x1: {  	s1 =	rddreg [dreg:$0x0]  }
0x2: {  	s0 =	rddreg [dreg:$0x1];
	s2 =	simm.s32 $0x0;
	s3 =	srdreg.scid  }
0x3: {  	s29 =	stileid.u32;
	s9 =	simm.s32 $0x80;
	s10 =	simm.s32 $0x2  }
0x4: {  	s11 =	simm.s32 $0x3;
	s12 =	simm.s32 $0x4;
	s5 =	sand.u32 $0x1, s3  }
0x5: {  	s13 =	simm.s32 $0x7;
	s14 =	simm.s32 $0x0;
	s6 =	sshll.u32 s5, $0x4  }
0x6: {  	[smem:$0x7FF] =	sst s2;
	s4 =	sadd.s32 $0xC7A00, s0;
	s6 =	sor.u32 s29, s6  }
0x7: {  	s0 =	sadd.s32 $0x311C00, s0;
	s5 =	ssub.s32 $0x2, s5;
	s8 =	smul.u32 $0x640, s6  }
0x8: {  	_ =	strace $0x80000047;
	[dreg:$0x3] =	wrdreg s0;
	s7 =	sshrl.u32 s5, $0x1  }
0x9: {  	s30 =	ssub.s32 s5, s7;
	s5 =	smul.u32 $0x19, s6;
	s31 =	sadd.s32 s4, s8  }
0xa: {  	s7 =	smax.u32 s30, $0x1;
	s8 =	simm.s32 $0x1;
	[dreg:$0x4] =	wrdreg s31  }
.LBB2_1:
0xb: {  	_ =	strace $0x80000048;
	s15 =	simm.s32 $0x1;
	p0 =	por $0x0, $0x0  }
0xc: {  	s0 =	rddreg [dreg:$0x4];
	s15 =	simm.s32 @p0 $0x0  }
0xd: {  	[tilespmem:s2], [sflag:$0x5] =	stream.linear.gather [hbm4b:s0+s2], $0x200, $0x200038;
	[tilespmem:$0x8400] =	vst v63  }
0xe: {  	p5 =	por $0x1, $0x1;
	p3 =	sne.s32 s15, $0x0  }
0xf: {  	p0 =	por !p5, !p3  }
0x10: {  	p0 =	por !p0, !p0  }
0x11: {  	s0 =	sadd.s32 @p0 s5, s15  }
0x12: {  	_ =	strace $0x90000048;
	s16 =	sand.u32 @p0 $0x1, s8;
	s0 =	sshll.u32 @p0 s0, $0x6  }
0x13: {  	s17 =	simm.s32 @p0 $0x0;
	_ =	strace @p0 $0x80000049;
	s0 =	sand.u32 @p0 $0x1FFFFFC0, s0  }
0x14: {  	s18 =	sshll.u32 @p0 s16, $0x9;
	s16 =	sadd.s32 @p0 $0x5, s16;
	s0 =	sadd.s32 @p0 s4, s0  }
0x15: {  	[tilespmem:s18], [sflag:s16] =	stream.linear.gather @p0 [hbm4b:s0+s17], $0x200, $0x200038;
	[tilespmem:$0x8400] =	vst v63  }
0x16: {  	s23 =	sand.u32 $0x1, s2;
	_ =	strace @p0 $0x90000049  }
0x17: {  	s19 =	sadd.s32 $0x5, s23;
	_ =	strace $0x8000004A  }
0x18: {  	_ =	swait.ge [sflag:s19], $0x200  }
0x19: {  	[sflag:s19] =	ssyncset.done $0x0  }
0x1a: {  	s21 =	simm.s32 $0x0;
	[sflag:s19] =	ssyncadd.s32 $0xFFFFFE00  }
0x1b: {  	p1 =	por $0x1, $0x1;
	s20 =	sshll.u32 s23, $0xE;
	_ =	strace $0x9000004A  }
0x1c: {  	s22 =	sor.u32 $0x400, s20;
	s16 =	sand.u32 $0x200, s21;
	_ =	strace $0x8000004B  }
0x1d: {  	[tilespmem:s22], [sflag:$0x1] =	stream.indirect.gather [hbm4b:s1+s9], $0x20, s16, s9, $0x2000b8;
	[tilespmem:$0x8400] =	vst v63  }
0x1e: {  	p4 =	por $0x0, $0x0;
	s24 =	sor.u32 $0x1400, s20;
	s25 =	sor.u32 $0x80, s16  }
0x1f: {  	[tilespmem:s24], [sflag:$0x2] =	stream.indirect.gather [hbm4b:s1+s9], $0x20, s25, s9, $0x2000b8;
	[tilespmem:$0x8400] =	vst v63  }
0x20: {  	p6 =	por $0x1, $0x1;
	s26 =	sor.u32 $0x2400, s20;
	s29 =	sor.u32 $0x100, s16  }
0x21: {  	[tilespmem:s26], [sflag:$0x3] =	stream.indirect.gather [hbm4b:s1+s9], $0x20, s29, s9, $0x2000b8;
	[tilespmem:$0x8400] =	vst v63  }
0x22: {  	s31 =	simm.s32 $0x1;
	s0 =	sor.u32 $0x3400, s20;
	s16 =	sor.u32 $0x180, s16  }
0x23: {  	[tilespmem:s0], [sflag:$0x4] =	stream.indirect.gather [hbm4b:s1+s9], $0x20, s16, s9, $0x2000b8;
	[tilespmem:$0x8400] =	vst v63  }
0x24: {  	p2 =	por p1, p1;
	p5 =	por $0x0, $0x0;
	_ =	swait.ge [sflag:s8], $0x1000  }
0x25: {  	s18 =	sand.u32 @!p1 $0x1, s2;
	p1 =	por $0x0, $0x0;
	[sflag:s8] =	ssyncset.done $0x0  }
0x26: {  	s21 =	sadd.s32 $0x1, s15;
	s17 =	simm.s32 $0x1;
	[sflag:s8] =	ssyncadd.s32 $0xFFFFF000  }
0x27: {  	s20 =	simm.s32 $0x0;
	s17 =	simm.s32 @!p0 $0x0;
	_ =	swait.ge [sflag:s10], $0x1000  }
0x28: {  	s19 =	simm.s32 $0x17;
	s25 =	sadd.s32 $0x1, s17;
	[sflag:s10] =	ssyncset.done $0x0  }
0x29: {  	s17 =	simm.s32 $0x0;
	s26 =	simm.s32 $0x1;
	[sflag:s10] =	ssyncadd.s32 $0xFFFFF000  }
0x2a: {  	s24 =	simm.s32 $0x0;
	s26 =	simm.s32 @!p5 $0x0;
	_ =	swait.ge [sflag:s11], $0x1000  }
0x2b: {  	p5 =	seq.s32 s21, $0x19;
	s16 =	simm.s32 $0x18;
	[sflag:s11] =	ssyncset.done $0x0  }
0x2c: {  	s0 =	sadd.s32 $0x0, s5;
	s21 =	simm.s32 @p5 $0x0;
	[sflag:s11] =	ssyncadd.s32 $0xFFFFF000  }
0x2d: {  	p5 =	por p4, p3;
	p0 =	sne.s32 s15, s21;
	_ =	swait.ge [sflag:s12], $0x1000  }
0x2e: {  	s0 =	sshll.u32 @p5 s0, $0xB;
	p6 =	por !p6, !p0;
	[sflag:s12] =	ssyncset.done $0x0  }
0x2f: {  	s31 =	simm.s32 @!p5 $0x0;
	p3 =	por !p6, !p6;
	[sflag:s12] =	ssyncadd.s32 $0xFFFFF000  }
0x30: {  	s30 =	sand.u32 @p3 $0x1, s25;
	s28 =	sadd.s32 @p3 s5, s21;
	_ =	strace $0x9000004B  }
.LBB2_2:
0x31: {  	_ =	strace @p5 $0x8000004C  }
0x32: {  	s29 =	smov.u32 s15;
	s0 =	sand.u32 @p5 $0x1FFFF800, s0;
	s15 =	rddreg [dreg:$0x3]  }
0x33: {  	s23 =	sadd.s32 @p5 $0x7, s23;
	s6 =	simm.s32 @p5 $0x0;
	s0 =	sadd.s32 @p5 s15, s0  }
0x34: {  	[hbm4b:s0+s6] =	stream.linear.scatter @p5 [tilespmem:s22], [sflag:s23], $0x4000, $0x200038;
	[tilespmem:$0x8400] =	vst v63  }
0x35: {  	_ =	strace @p5 $0x9000004C  }
0x36: {  	s0 =	sadd.s32 @!p2 $0x7, s18;
	_ =	strace @!p2 $0x8000004D  }
0x37: {  	s3 =	sshll.u32 @p3 s28, $0x6;
	_ =	swait.ge @!p2 [sflag:s0], $0x4000  }
0x38: {  	s17 =	sadd.s32 s26, s17;
	s24 =	sadd.s32 s31, s24;
	[sflag:s0] =	ssyncset.done @!p2 $0x0  }
0x39: {  	s3 =	sand.u32 @p3 $0x1FFFFFC0, s3;
	s26 =	sand.u32 @!p1 $0x1, s17;
	[sflag:s0] =	ssyncadd.s32 @!p2 $0xFFFFC000  }
0x3a: {  	s3 =	sadd.s32 @p3 s4, s3;
	s6 =	simm.s32 @p3 $0x0;
	_ =	strace @!p2 $0x9000004D  }
0x3b: {  	s22 =	sshll.u32 @p3 s30, $0x9;
	s23 =	sadd.s32 @p3 $0x5, s30;
	_ =	strace @p3 $0x80000049  }
0x3c: {  	[tilespmem:s22], [sflag:s23] =	stream.linear.gather @p3 [hbm4b:s3+s6], $0x200, $0x200038;
	[tilespmem:$0x8400] =	vst v63  }
0x3d: {  	s18 =	smov.u32 s26;
	s26 =	sand.u32 $0x1, s24;
	_ =	strace @p3 $0x90000049  }
0x3e: {  	s0 =	sadd.s32 $0x5, s26;
	_ =	strace $0x8000004A  }
0x3f: {  	_ =	swait.ge [sflag:s0], $0x200  }
0x40: {  	s20 =	sadd.s32 s31, s20;
	[sflag:s0] =	ssyncset.done $0x0  }
0x41: {  	s23 =	sand.u32 $0x1, s20;
	[sflag:s0] =	ssyncadd.s32 $0xFFFFFE00  }
0x42: {  	s26 =	sshll.u32 s24, $0x9;
	s3 =	sshll.u32 s23, $0xE;
	_ =	strace $0x9000004A  }
0x43: {  	s6 =	sand.u32 $0x200, s26;
	s22 =	sor.u32 $0x400, s3;
	_ =	strace $0x8000004B  }
0x44: {  	[tilespmem:s22], [sflag:$0x1] =	stream.indirect.gather [hbm4b:s1+s9], $0x20, s6, s9, $0x2000b8;
	[tilespmem:$0x8400] =	vst v63  }
0x45: {  	s28 =	smov.u32 s16;
	s26 =	sor.u32 $0x80, s6;
	s0 =	sor.u32 $0x1400, s3  }
0x46: {  	[tilespmem:s0], [sflag:$0x2] =	stream.indirect.gather [hbm4b:s1+s9], $0x20, s26, s9, $0x2000b8;
	[tilespmem:$0x8400] =	vst v63  }
0x47: {  	s16 =	smov.u32 s19;
	s0 =	sor.u32 $0x2400, s3;
	s26 =	sor.u32 $0x100, s6  }
0x48: {  	[tilespmem:s0], [sflag:$0x3] =	stream.indirect.gather [hbm4b:s1+s9], $0x20, s26, s9, $0x2000b8;
	[tilespmem:$0x8400] =	vst v63  }
0x49: {  	s19 =	sadd.s32 $0xFFFFFFFF, s19;
	s3 =	sor.u32 $0x3400, s3;
	s26 =	sor.u32 $0x180, s6  }
0x4a: {  	[tilespmem:s3], [sflag:$0x4] =	stream.indirect.gather [hbm4b:s1+s9], $0x20, s26, s9, $0x2000b8;
	[tilespmem:$0x8400] =	vst v63  }
0x4b: {  	s31 =	simm.s32 $0x1;
	p4 =	sne.s32 s19, $0x0;
	_ =	swait.ge [sflag:s8], $0x1000  }
0x4c: {  	p6 =	sne.s32 s28, $0x19;
	p5 =	seq.s32 s28, $0x1;
	[sflag:s8] =	ssyncset.done $0x0  }
0x4d: {  	s15 =	smov.u32 s21;
	p5 =	por p5, p0;
	[sflag:s8] =	ssyncadd.s32 $0xFFFFF000  }
0x4e: {  	s21 =	sadd.s32 $0x1, s21;
	s31 =	simm.s32 @!p5 $0x0;
	_ =	swait.ge [sflag:s10], $0x1000  }
0x4f: {  	p2 =	por p1, p1;
	s0 =	sadd.s32 s5, s29;
	[sflag:s10] =	ssyncset.done $0x0  }
0x50: {  	p1 =	seq.s32 s16, $0x19;
	s0 =	sshll.u32 @p5 s0, $0xB;
	[sflag:s10] =	ssyncadd.s32 $0xFFFFF000  }
0x51: {  	s26 =	simm.s32 $0x1;
	s3 =	simm.s32 $0x1;
	_ =	swait.ge [sflag:s11], $0x1000  }
0x52: {  	s26 =	simm.s32 @!p6 $0x0;
	p6 =	seq.s32 s21, $0x19;
	[sflag:s11] =	ssyncset.done $0x0  }
.Ltmp0:
0x53: {  	s21 =	simm.s32 @p6 $0x0;
	[sflag:s11] =	ssyncadd.s32 $0xFFFFF000;
	(pc) =	sbr.rel @p4 .LBB2_2-.Ltmp0, $4  }
0x54: {  	p6 =	sne.s32 s16, $0x1;
	p0 =	sne.s32 s15, s21;
	_ =	swait.ge [sflag:s12], $0x1000  }
0x55: {  	s3 =	simm.s32 @!p3 $0x0;
	p3 =	por !p6, !p0;
	[sflag:s12] =	ssyncset.done $0x0  }
0x56: {  	s25 =	sadd.s32 s3, s25;
	p3 =	por !p3, !p3;
	[sflag:s12] =	ssyncadd.s32 $0xFFFFF000  }
0x57: {  	s30 =	sand.u32 @p3 $0x1, s25;
	s28 =	sadd.s32 @p3 s5, s21;
	_ =	strace $0x9000004B  }
0x58: {  	_ =	strace @p5 $0x8000004C  }
0x59: {  	s0 =	sand.u32 @p5 $0x1FFFF800, s0;
	s3 =	rddreg [dreg:$0x3]  }
0x5a: {  	s6 =	sadd.s32 @p5 $0x7, s23;
	s19 =	simm.s32 @p5 $0x0;
	s0 =	sadd.s32 @p5 s3, s0  }
0x5b: {  	[hbm4b:s0+s19] =	stream.linear.scatter @p5 [tilespmem:s22], [sflag:s6], $0x4000, $0x200038;
	[tilespmem:$0x8400] =	vst v63  }
0x5c: {  	_ =	strace @p5 $0x9000004C  }
0x5d: {  	s0 =	sadd.s32 @!p2 $0x7, s18;
	_ =	strace @!p2 $0x8000004D  }
0x5e: {  	_ =	swait.ge @!p2 [sflag:s0], $0x4000  }
0x5f: {  	s3 =	sshll.u32 @p3 s28, $0x6;
	[sflag:s0] =	ssyncset.done @!p2 $0x0  }
0x60: {  	s3 =	sand.u32 @p3 $0x1FFFFFC0, s3;
	s22 =	sadd.s32 s31, s24;
	[sflag:s0] =	ssyncadd.s32 @!p2 $0xFFFFC000  }
0x61: {  	s6 =	simm.s32 @p3 $0x0;
	s18 =	sshll.u32 @p3 s30, $0x9;
	_ =	strace @!p2 $0x9000004D  }
0x62: {  	s19 =	sadd.s32 @p3 $0x5, s30;
	s3 =	sadd.s32 @p3 s4, s3;
	_ =	strace @p3 $0x80000049  }
0x63: {  	[tilespmem:s18], [sflag:s19] =	stream.linear.gather @p3 [hbm4b:s3+s6], $0x200, $0x200038;
	[tilespmem:$0x8400] =	vst v63  }
0x64: {  	s23 =	sand.u32 $0x1, s22;
	_ =	strace @p3 $0x90000049  }
0x65: {  	s3 =	sadd.s32 $0x5, s23;
	_ =	strace $0x8000004A  }
0x66: {  	_ =	swait.ge [sflag:s3], $0x200  }
0x67: {  	s24 =	sadd.s32 s31, s20;
	[sflag:s3] =	ssyncset.done $0x0  }
0x68: {  	s6 =	sand.u32 $0x1, s24;
	[sflag:s3] =	ssyncadd.s32 $0xFFFFFE00  }
0x69: {  	s0 =	sshll.u32 s22, $0x9;
	s25 =	sshll.u32 s6, $0xE;
	_ =	strace $0x9000004A  }
0x6a: {  	s0 =	sand.u32 $0x200, s0;
	s18 =	sor.u32 $0x400, s25;
	_ =	strace $0x8000004B  }
0x6b: {  	[tilespmem:s18], [sflag:$0x1] =	stream.indirect.gather [hbm4b:s1+s9], $0x20, s0, s9, $0x2000b8;
	[tilespmem:$0x8400] =	vst v63  }
0x6c: {  	s29 =	sor.u32 $0x80, s0;
	s28 =	sor.u32 $0x1400, s25  }
0x6d: {  	[tilespmem:s28], [sflag:$0x2] =	stream.indirect.gather [hbm4b:s1+s9], $0x20, s29, s9, $0x2000b8;
	[tilespmem:$0x8400] =	vst v63  }
0x6e: {  	s31 =	sor.u32 $0x100, s0;
	s30 =	sor.u32 $0x2400, s25  }
0x6f: {  	[tilespmem:s30], [sflag:$0x3] =	stream.indirect.gather [hbm4b:s1+s9], $0x20, s31, s9, $0x2000b8;
	[tilespmem:$0x8400] =	vst v63  }
0x70: {  	s3 =	sor.u32 $0x3400, s25;
	s0 =	sor.u32 $0x180, s0  }
0x71: {  	[tilespmem:s3], [sflag:$0x4] =	stream.indirect.gather [hbm4b:s1+s9], $0x20, s0, s9, $0x2000b8;
	[tilespmem:$0x8400] =	vst v63  }
0x72: {  	_ =	swait.ge [sflag:s8], $0x1000  }
0x73: {  	[sflag:s8] =	ssyncset.done $0x0  }
0x74: {  	[sflag:s8] =	ssyncadd.s32 $0xFFFFF000  }
0x75: {  	_ =	swait.ge [sflag:s10], $0x1000  }
0x76: {  	[sflag:s10] =	ssyncset.done $0x0  }
0x77: {  	[sflag:s10] =	ssyncadd.s32 $0xFFFFF000  }
0x78: {  	_ =	swait.ge [sflag:s11], $0x1000  }
0x79: {  	[sflag:s11] =	ssyncset.done $0x0  }
0x7a: {  	[sflag:s11] =	ssyncadd.s32 $0xFFFFF000  }
0x7b: {  	_ =	swait.ge [sflag:s12], $0x1000  }
0x7c: {  	[sflag:s12] =	ssyncset.done $0x0  }
0x7d: {  	p6 =	seq.s32 s16, $0x1;
	[sflag:s12] =	ssyncadd.s32 $0xFFFFF000  }
0x7e: {  	p0 =	por p6, p0;
	s0 =	sadd.s32 s5, s15;
	_ =	strace $0x9000004B  }
0x7f: {  	s0 =	sshll.u32 @p0 s0, $0xB;
	_ =	strace @p0 $0x8000004C  }
0x80: {  	s16 =	simm.s32 @p0 $0x0;
	s0 =	sand.u32 @p0 $0x1FFFF800, s0;
	s3 =	rddreg [dreg:$0x3]  }
0x81: {  	s6 =	sadd.s32 @p0 $0x7, s6;
	s15 =	sadd.s32 s26, s17;
	s0 =	sadd.s32 @p0 s3, s0  }
0x82: {  	[hbm4b:s0+s16] =	stream.linear.scatter @p0 [tilespmem:s18], [sflag:s6], $0x4000, $0x200038;
	[tilespmem:$0x8400] =	vst v63  }
0x83: {  	s0 =	sand.u32 @!p1 $0x1, s15;
	p1 =	por p1, p1;
	_ =	strace @p0 $0x9000004C  }
0x84: {  	s0 =	sadd.s32 @!p1 $0x7, s0;
	_ =	strace @!p1 $0x8000004D  }
0x85: {  	_ =	swait.ge @!p1 [sflag:s0], $0x4000  }
0x86: {  	[sflag:s0] =	ssyncset.done @!p1 $0x0  }
0x87: {  	s14 =	sadd.s32 $0x1, s14;
	[sflag:s0] =	ssyncadd.s32 @!p1 $0xFFFFC000  }
0x88: {  	p0 =	sne.s32 s14, s7;
	_ =	strace @!p1 $0x9000004D  }
.Ltmp1:
0x89: {  	_ =	strace $0x8000004E;
	(pc) =	sbr.rel @p0 .LBB2_1-.Ltmp1, $4  }
0x8a: {  	_ =	swait.ge [sflag:s13], $0x4000  }
0x8b: {  	[sflag:s13] =	ssyncset.done $0x0  }
0x8c: {  	[sflag:s13] =	ssyncadd.s32 $0xFFFFC000  }
0x8d: {  	_ =	strace $0x9000004E  }
0x8e: {  	_ =	sfence.sel $0x180000  }
0x8f: {  	[bflag:$0x0] =	sbarrier.arrive $0xFFFF  }
0x90: {  	_ =	strace $0x90000047  }
0x91: {  	s0 =	stileid.u32;
	[bflag:$0x2] =	sbarrier.arrive $0xFFFF  }
0x92: {  	p0 =	sne.s32 s0, $0x0;
	s0 =	rddreg [dreg:$0x2]  }
0x93: {  	s0 =	sadd.s32 @!p0 $0x100000, s0  }
0x94: {  	[sflag:s0] =	ssyncadd.tile.s32 @!p0 $0x1;
	_ =	shalt  }
.Lfunc_end2:
_tile_overlayer_lowered:
.L_overlay_start_2:
0x95: {  	(tag) =	ssettag $0x2  }
0x96: {  	s0 =	rddreg [dreg:$0x0];
	s2 =	stileid.u32  }
0x97: {  	s1 =	rddreg [dreg:$0x1];
	p0 =	sne.s32 s2, $0x0  }
0x98: {  	s3 =	rddreg [dreg:$0x2];
	[bflag:$0x3] =	sbarrier.arrive $0xFFFF;
	s2 =	simm.s32 @!p0 $0x1C05  }
0x99: {  	[timem:s3], [sflag:s2] =	dma.local @!p0 [hbm:s0], s1  }
0x9a: {  	s0 =	simm.s32 @!p0 $0x5  }
0x9b: {  	_ =	swait.ge @!p0 [sflag:s0], s1  }
0x9c: {  	s1 =	ssub.s32 @!p0 $0x0, s1;
	[sflag:s0] =	ssyncset.done @!p0 $0x0  }
0x9d: {  	[sflag:s0] =	ssyncadd.s32 @!p0 s1  }
0x9e: {  	[bflag:$0x3] =	sbarrier.arrive $0xFFFF  }
0x9f: {  	_ =	shalt  }

// kernel: kernel.7.cloned.1.call-start
scs
__scs_entry_jumppad:
0x0: {  	(pc) =	sbr.rel $0x88, $3  }
0x1: {  	(tag) =	ssettag $0x0;
	lr =	simm.s32 $0x1  }
0x2: {  	[smem:$0x3F86] =	sst lr;
	_ =	strace $0xD0000000  }
0x3: {  	_ = 	snop  }
0x4: {  	_ = 	snop  }
0x5: {  	_ = 	snop  }
0x6: {  	_ = 	snop  }
0x7: {  	_ = 	snop  }
__scs_overlays_trampoline_lowered:
0x8: {  	[smem:$0x3F95] =	sst s0  }
0x9: {  	[smem:$0x3F96] =	sst s1  }
0xa: {  	[smem:$0x3F97] =	sst s2  }
0xb: {  	[smem:$0x3F98] =	sst s3  }
0xc: {  	[smem:$0x3F99] =	sst s4  }
0xd: {  	[smem:$0x3F9A] =	sst s5  }
0xe: {  	[smem:$0x3F9B] =	sst s6  }
0xf: {  	[smem:$0x3F9C] =	sst s7  }
0x10: {  	[smem:$0x3F9D] =	sst s8  }
0x11: {  	[smem:$0x3F9E] =	sst s9;
	s0 =	simm.s32 @!p0 $0x0  }
0x12: {  	s1 =	sld [smem:$0x3F84];
	s0 =	simm.s32 @p0 $0x1  }
0x13: {  	[smem:$0x3F9F] =	sst s0;
	s0 =	simm.s32 @!p1 $0x0  }
0x14: {  	s2 =	sld [smem:$0x3F83];
	s0 =	simm.s32 @p1 $0x1  }
0x15: {  	[smem:$0x3FA0] =	sst s0;
	s0 =	simm.s32 @!p2 $0x0  }
0x16: {  	s3 =	sld [smem:$0x3FDB];
	s0 =	simm.s32 @p2 $0x1  }
0x17: {  	s4 =	simm.s32 $0x1BF5;
	[smem:$0x3FA2] =	sst s0  }
0x18: {  	s0 =	sld [smem:$0x3F85];
	_ =	swait.ge [sflag:s4], $0x0  }
0x19: {  	s7 =	sld [smem:$0x3F86]  }
0x1a: {  	s8 =	sadd.s32 $0xFFFFE003, lr  }
0x1b: {  	s9 =	sadd.s32 $0xFFFFFEF7, lr;
	s5 =	simm.s32 $0xFFFFFFFF;
	p2 =	slt.u32 s8, $0xFFFFF086  }
0x1c: {  	p1 =	slt.u32 s9, $0xF7A;
	s5 =	simm.s32 @!p2 $0x0  }
0x1d: {  	s5 =	simm.s32 @p1 $0x1;
	p0 =	seq.s32 s7, s2  }
0x1e: {  	s7 =	smul.u32 @!p0 $0xF7A, s2;
	p2 =	seq.s32 @!p0 s5, $0x0  }
0x1f: {  	s9 =	smul.u32 $0xF7A, s1;
	s8 =	simm.s32 @!p0 $0x1BF5;
	p2 =	por !p2, p0  }
0x20: {  	[sflag:s8] =	ssyncset.s32 @!p0 $0xFFFFF086;
	s6 =	sadd.s32 @!p0 s3, s7;
	s7 =	simm.s32 @!p0 $0x108  }
0x21: {  	s3 =	sadd.s32 s3, s9;
	s6 =	sadd.s32 @!p0 $0x88, s6;
	s7 =	simm.s32 @p2 $0x1082  }
0x22: {  	[simem:s7], [sflag:s8] =	dma.local @!p0 [hbm:s6], $0xF7A  }
0x23: {  	s9 =	sor.u32 $0xD0000000, s2;
	s6 =	simm.s32 $0x108;
	_ =	swait.ge @!p0 [sflag:s8], $0x0  }
0x24: {  	s3 =	sadd.s32 $0x88, s3;
	s6 =	simm.s32 @!p1 $0x1082;
	[sflag:s4] =	ssyncset.s32 $0xFFFFF086  }
0x25: {  	[simem:s6], [sflag:s4] =	dma.local [hbm:s3], $0xF7A  }
0x26: {  	[smem:$0x3F86] =	sst s1;
	(tag) =	ssettag s2;
	_ =	strace s9  }
0x27: {  	s1 =	sld [smem:$0x3F96]  }
0x28: {  	s2 =	sld [smem:$0x3F97]  }
0x29: {  	s4 =	sld [smem:$0x3F99]  }
0x2a: {  	p0 =	seq.s32 s5, $0x0;
	s5 =	sld [smem:$0x3F9A]  }
0x2b: {  	s6 =	sld [smem:$0x3F9B]  }
0x2c: {  	s7 =	sld [smem:$0x3F9C]  }
0x2d: {  	s3 =	simm.s32 $0x108;
	s8 =	sld [smem:$0x3F9D]  }
0x2e: {  	s3 =	simm.s32 @!p0 $0x1082;
	s9 =	sld [smem:$0x3F9E]  }
0x2f: {  	lr =	sadd.s32 s0, s3;
	s0 =	sld [smem:$0x3F95]  }
0x30: {  	s3 =	sld [smem:$0x3F98]  }
0x31: {  	[smem:$0x3FA1] =	sst s10  }
0x32: {  	s10 =	sld [smem:$0x3F9F];
	_ =	sdelay $0x3  }
0x33: {  	p0 =	seq.s32 s10, $0x1;
	s10 =	sld [smem:$0x3FA1];
	_ =	sdelay $0x3  }
0x34: {  	[smem:$0x3FA1] =	sst s10  }
0x35: {  	s10 =	sld [smem:$0x3FA0];
	_ =	sdelay $0x3  }
0x36: {  	p1 =	seq.s32 s10, $0x1;
	s10 =	sld [smem:$0x3FA1];
	_ =	sdelay $0x3  }
0x37: {  	[smem:$0x3FA1] =	sst s10  }
0x38: {  	s10 =	sld [smem:$0x3FA2]  }
0x39: {  	_ = 	snop;
	(pc) =	sbr.ind lr, $3  }
0x3a: {  	_ = 	snop  }
0x3b: {  	_ = 	snop  }
0x3c: {  	p2 =	seq.s32 s10, $0x1;
	s10 =	sld [smem:$0x3FA1]  }
0x3d: {  	_ =	shalt  }
0x3e: {  	_ =	shalt  }
0x3f: {  	_ =	shalt  }
0x40: {  	_ =	shalt  }
0x41: {  	_ =	shalt  }
0x42: {  	_ =	shalt  }
0x43: {  	_ =	shalt  }
0x44: {  	_ =	shalt  }
0x45: {  	_ =	shalt  }
0x46: {  	_ =	shalt  }
0x47: {  	_ =	shalt  }
0x48: {  	_ =	shalt  }
0x49: {  	_ =	shalt  }
0x4a: {  	_ =	shalt  }
0x4b: {  	_ =	shalt  }
0x4c: {  	_ =	shalt  }
0x4d: {  	_ =	shalt  }
0x4e: {  	_ =	shalt  }
0x4f: {  	_ =	shalt  }
0x50: {  	_ =	shalt  }
0x51: {  	_ =	shalt  }
0x52: {  	_ =	shalt  }
0x53: {  	_ =	shalt  }
0x54: {  	_ =	shalt  }
0x55: {  	_ =	shalt  }
0x56: {  	_ =	shalt  }
0x57: {  	_ =	shalt  }
0x58: {  	_ =	shalt  }
0x59: {  	_ =	shalt  }
0x5a: {  	_ =	shalt  }
0x5b: {  	_ =	shalt  }
0x5c: {  	_ =	shalt  }
0x5d: {  	_ =	shalt  }
0x5e: {  	_ =	shalt  }
0x5f: {  	_ =	shalt  }
0x60: {  	_ =	shalt  }
0x61: {  	_ =	shalt  }
0x62: {  	_ =	shalt  }
0x63: {  	_ =	shalt  }
0x64: {  	_ =	shalt  }
0x65: {  	_ =	shalt  }
0x66: {  	_ =	shalt  }
0x67: {  	_ =	shalt  }
0x68: {  	_ =	shalt  }
0x69: {  	_ =	shalt  }
0x6a: {  	_ =	shalt  }
0x6b: {  	_ =	shalt  }
0x6c: {  	_ =	shalt  }
0x6d: {  	_ =	shalt  }
0x6e: {  	_ =	shalt  }
0x6f: {  	_ =	shalt  }
0x70: {  	_ =	shalt  }
0x71: {  	_ =	shalt  }
0x72: {  	_ =	shalt  }
0x73: {  	_ =	shalt  }
0x74: {  	_ =	shalt  }
0x75: {  	_ =	shalt  }
0x76: {  	_ =	shalt  }
0x77: {  	_ =	shalt  }
0x78: {  	_ =	shalt  }
0x79: {  	_ =	shalt  }
0x7a: {  	_ =	shalt  }
0x7b: {  	_ =	shalt  }
0x7c: {  	_ =	shalt  }
0x7d: {  	_ =	shalt  }
0x7e: {  	_ =	shalt  }
0x7f: {  	_ =	shalt  }
0x80: {  	_ =	shalt  }
0x81: {  	_ =	shalt  }
0x82: {  	_ =	shalt  }
0x83: {  	_ =	shalt  }
0x84: {  	_ =	shalt  }
0x85: {  	_ =	shalt  }
0x86: {  	_ =	shalt  }
0x87: {  	_ =	shalt  }
.Lfunc_end0:
.L_simem_size_0:
called_computation_lowered:
.L_overlay_start_0:
0x88: {  	s2 =	sld [smem:$0x3FD9]  }
0x89: {  	s3 =	sld [smem:$0x3FFE];
	_ =	sdelay $0x1  }
0x8a: {  	s1 =	srdreg.scid  }
0x8b: {  	s0 =	sand.u32 $0x1, s1  }
0x8c: {  	s17 =	sshll.u32 s0, $0xA;
	s2 =	sadd.s32 s3, s2  }
0x8d: {  	s2 =	sadd.s32 s2, s17  }
0x8e: {  	[smem:$0x3FAD] =	sst s2  }
0x8f: {  	_ = 	snop  }
0x90: {  	s18 =	sld [smem:$0x3FD0];
	(tm) =	ssettm $0x1  }
0x91: {  	s19 =	sld [smem:$0x3FFB];
	_ =	sdelay $0x3  }
0x92: {  	_ =	strace s19  }
0x93: {  	s2 =	sld [smem:$0x3FFC];
	_ =	sdelay $0x3  }
0x94: {  	_ =	strace s2  }
0x95: {  	s2 =	sld [smem:$0x3FFD];
	_ =	sdelay $0x3  }
0x96: {  	_ =	strace s2  }
0x97: {  	_ =	strace $0x8FFFFFFF  }
0x98: {  	s20 =	sld [smem:$0x3FDB];
	_ =	sdelay $0x1  }
0x99: {  	s4 =	simm.s32 $_scs_section_size  }
0x9a: {  	s5 =	simm.s32 $_size__tile_overlayer_lowered;
	s6 =	simm.s32 $_tile_overlayer_lowered  }
0x9b: {  	s7 =	simm.s32 $0x1BFF;
	s21 =	sshll.u32 s6, $0x1;
	s4 =	sadd.s32 s4, s20  }
0x9c: {  	s22 =	simm.s32 $0x0;
	s5 =	sshll.u32 s5, $0x1;
	s6 =	sadd.s32 s21, s4  }
0x9d: {  	[timem:s22], [sflag:s7] =	dma.local [hbm:s6], s5  }
0x9e: {  	_ =	swait.ge [sflag:s7], s5  }
0x9f: {  	s5 =	ssub.s32 $0x0, s5;
	[sflag:s7] =	ssyncset.done $0x0  }
0xa0: {  	[sflag:s7] =	ssyncadd.s32 s5;
	_ =	sdelay $0x1  }
0xa1: {  	s23 =	simm.s32 $0x1B8B  }
0xa2: {  	_ =	swait.ge [sflag:s23], $0x1  }
0xa3: {  	[sflag:s23] =	ssyncset.done $0x0  }
0xa4: {  	[sflag:s23] =	ssyncadd.s32 $0xFFFFFFFF  }
0xa5: {  	s5 =	sld [smem:$0x0]  }
0xa6: {  	s6 =	sand.u32 $0xFFFFFFFE, s1  }
0xa7: {  	p0 =	sne.s32 s1, s6  }
0xa8: {  	s6 =	sshll.u32 @p0 s6, $0xE  }
0xa9: {  	s6 =	sadd.s32 @p0 $0x11B8D, s6;
	s7 =	sshll.u32 @p0 s5, $0x11  }
0xaa: {  	s6 =	sor.u32 @p0 s7, s6  }
0xab: {  	[sflag:s6] =	ssyncadd.remote.s32 @p0 $0x1;
	_ =	sdelay $0x1  }
0xac: {  	s6 =	simm.s32 @p0 $0x1B8D  }
0xad: {  	_ =	swait.eq @p0 [sflag:s6], $0x1  }
0xae: {  	[sflag:s6] =	ssyncadd.s32 @p0 $0xFFFFFFFF  }
0xaf: {  	s7 =	sshll.u32 @!p0 s1, $0xE  }
0xb0: {  	s7 =	sor.u32 @!p0 $0x4000, s7;
	s6 =	simm.s32 @!p0 $0x1B8D  }
0xb1: {  	s5 =	sshll.u32 @!p0 s5, $0x11;
	s7 =	sadd.s32 @!p0 $0x11B8D, s7;
	_ =	swait.eq @!p0 [sflag:s6], $0x1  }
0xb2: {  	s5 =	sor.u32 @!p0 s5, s7;
	[sflag:s6] =	ssyncadd.s32 @!p0 $0xFFFFFFFF  }
0xb3: {  	s25 =	simm.s32 $0x1B8E;
	s24 =	sld [smem:$0x3FFE];
	[sflag:s5] =	ssyncadd.remote.s32 @!p0 $0x1  }
0xb4: {  	s26 =	simm.s32 $execute0_lowered;
	[smem:$0x3FD2] =	sst s25  }
0xb5: {  	s6 =	sshll.u32 s26, $0x1;
	_ =	strace $0x80000050;
	[dreg:$0x1] =	wrdreg $0xFFFFFFFF  }
0xb6: {  	s28 =	simm.s32 $_size_execute0_lowered;
	s4 =	sadd.s32 s4, s6;
	[dreg:$0x0] =	wrdreg $0x0  }
0xb7: {  	s6 =	sshll.u32 s28, $0x1;
	[dreg:$0x2] =	wrdreg s4  }
0xb8: {  	[dreg:$0x3] =	wrdreg s6  }
0xb9: {  	[dreg:$0x4] =	wrdreg $0xC0  }
0xba: {  	_ =	task [dreg:s22], $0x5FFFF  }
0xbb: {  	[dreg:$0x1] =	wrdreg $0xFFFFFFFF  }
0xbc: {  	[dreg:$0x0] =	wrdreg $0x60  }
0xbd: {  	[dreg:$0x2] =	wrdreg s18  }
0xbe: {  	[dreg:$0x3] =	wrdreg s24  }
0xbf: {  	[dreg:$0x4] =	wrdreg $0x9  }
0xc0: {  	_ =	task.clear_ibuf [dreg:s22], $0x5FFFF;
	_ =	strace $0x90000050  }
0xc1: {  	s29 =	simm.s32 $0x9;
	_ =	strace $0x80000059  }
0xc2: {  	_ =	swait.ge [sflag:s29], $0x1  }
0xc3: {  	[sflag:s29] =	ssyncadd.s32 $0xFFFFFFFF  }
0xc4: {  	_ =	strace $0x90000059  }
0xc5: {  	_ =	sfence  }
0xc6: {  	s30 =	sld [smem:$0x0];
	_ =	sdelay $0x2  }
0xc7: {  	s31 =	sshll.u32 s1, $0xD;
	s1 =	sshrl.u32 s1, $0x2  }
0xc8: {  	s4 =	sand.u32 $0x4000, s31;
	s1 =	sadd.s32 s1, s30  }
0xc9: {  	s0 =	sor.u32 s4, s0;
	s1 =	sshll.u32 s1, $0x11  }
0xca: {  	s0 =	sor.u32 s1, s0  }
0xcb: {  	s0 =	sadd.s32 $0x8F2B, s0  }
0xcc: {  	[sflag:s0] =	ssyncadd.remote.s32 $0x1  }
0xcd: {  	_ =	sfence.sel $0xFFFF  }
0xce: {  	[dreg:$0x0] =	wrdreg $0xFFFFFFFF;
	(pc) =	sbr.abs _section_cstart, $3  }
0xcf: {  	[dreg:$0x1] =	wrdreg $0xFFFFFFFF  }
0xd0: {  	_ =	task.clear_ibuf [dreg:s22], $0x2FFFF;
	_ =	strace $0x9FFFFFFF  }
0xd1: {  	(tm) =	ssettm $0x7FFFFFFF  }
tec
execute0_lowered:
.L_overlay_start_1:
0x0: {  	(tag) =	ssettag $0x1  }
0x1: {  	s1 =	rddreg [dreg:$0x0]  }
0x2: {  	s0 =	rddreg [dreg:$0x1];
	s2 =	simm.s32 $0x0;
	s3 =	srdreg.scid  }
0x3: {  	s29 =	stileid.u32;
	s9 =	simm.s32 $0x80;
	s10 =	simm.s32 $0x2  }
0x4: {  	s11 =	simm.s32 $0x3;
	s12 =	simm.s32 $0x4;
	s5 =	sand.u32 $0x1, s3  }
0x5: {  	s13 =	simm.s32 $0x7;
	s14 =	simm.s32 $0x0;
	s6 =	sshll.u32 s5, $0x4  }
0x6: {  	[smem:$0x7FF] =	sst s2;
	s4 =	sadd.s32 $0xD4200, s0;
	s6 =	sor.u32 s29, s6  }
0x7: {  	s0 =	sadd.s32 $0x4A1C00, s0;
	s5 =	ssub.s32 $0x2, s5;
	s8 =	smul.u32 $0x640, s6  }
0x8: {  	_ =	strace $0x80000051;
	[dreg:$0x3] =	wrdreg s0;
	s7 =	sshrl.u32 s5, $0x1  }
0x9: {  	s30 =	ssub.s32 s5, s7;
	s5 =	smul.u32 $0x19, s6;
	s31 =	sadd.s32 s4, s8  }
0xa: {  	s7 =	smax.u32 s30, $0x1;
	s8 =	simm.s32 $0x1;
	[dreg:$0x4] =	wrdreg s31  }
.LBB2_1:
0xb: {  	_ =	strace $0x80000052;
	s15 =	simm.s32 $0x1;
	p0 =	por $0x0, $0x0  }
0xc: {  	s0 =	rddreg [dreg:$0x4];
	s15 =	simm.s32 @p0 $0x0  }
0xd: {  	[tilespmem:s2], [sflag:$0x5] =	stream.linear.gather [hbm4b:s0+s2], $0x200, $0x200038;
	[tilespmem:$0x8400] =	vst v63  }
0xe: {  	p5 =	por $0x1, $0x1;
	p3 =	sne.s32 s15, $0x0  }
0xf: {  	p0 =	por !p5, !p3  }
0x10: {  	p0 =	por !p0, !p0  }
0x11: {  	s0 =	sadd.s32 @p0 s5, s15  }
0x12: {  	_ =	strace $0x90000052;
	s16 =	sand.u32 @p0 $0x1, s8;
	s0 =	sshll.u32 @p0 s0, $0x6  }
0x13: {  	s17 =	simm.s32 @p0 $0x0;
	_ =	strace @p0 $0x80000053;
	s0 =	sand.u32 @p0 $0x1FFFFFC0, s0  }
0x14: {  	s18 =	sshll.u32 @p0 s16, $0x9;
	s16 =	sadd.s32 @p0 $0x5, s16;
	s0 =	sadd.s32 @p0 s4, s0  }
0x15: {  	[tilespmem:s18], [sflag:s16] =	stream.linear.gather @p0 [hbm4b:s0+s17], $0x200, $0x200038;
	[tilespmem:$0x8400] =	vst v63  }
0x16: {  	s23 =	sand.u32 $0x1, s2;
	_ =	strace @p0 $0x90000053  }
0x17: {  	s19 =	sadd.s32 $0x5, s23;
	_ =	strace $0x80000054  }
0x18: {  	_ =	swait.ge [sflag:s19], $0x200  }
0x19: {  	[sflag:s19] =	ssyncset.done $0x0  }
0x1a: {  	s21 =	simm.s32 $0x0;
	[sflag:s19] =	ssyncadd.s32 $0xFFFFFE00  }
0x1b: {  	p1 =	por $0x1, $0x1;
	s20 =	sshll.u32 s23, $0xE;
	_ =	strace $0x90000054  }
0x1c: {  	s22 =	sor.u32 $0x400, s20;
	s16 =	sand.u32 $0x200, s21;
	_ =	strace $0x80000055  }
0x1d: {  	[tilespmem:s22], [sflag:$0x1] =	stream.indirect.gather [hbm4b:s1+s9], $0x20, s16, s9, $0x2000b8;
	[tilespmem:$0x8400] =	vst v63  }
0x1e: {  	p4 =	por $0x0, $0x0;
	s24 =	sor.u32 $0x1400, s20;
	s25 =	sor.u32 $0x80, s16  }
0x1f: {  	[tilespmem:s24], [sflag:$0x2] =	stream.indirect.gather [hbm4b:s1+s9], $0x20, s25, s9, $0x2000b8;
	[tilespmem:$0x8400] =	vst v63  }
0x20: {  	p6 =	por $0x1, $0x1;
	s26 =	sor.u32 $0x2400, s20;
	s29 =	sor.u32 $0x100, s16  }
0x21: {  	[tilespmem:s26], [sflag:$0x3] =	stream.indirect.gather [hbm4b:s1+s9], $0x20, s29, s9, $0x2000b8;
	[tilespmem:$0x8400] =	vst v63  }
0x22: {  	s31 =	simm.s32 $0x1;
	s0 =	sor.u32 $0x3400, s20;
	s16 =	sor.u32 $0x180, s16  }
0x23: {  	[tilespmem:s0], [sflag:$0x4] =	stream.indirect.gather [hbm4b:s1+s9], $0x20, s16, s9, $0x2000b8;
	[tilespmem:$0x8400] =	vst v63  }
0x24: {  	p2 =	por p1, p1;
	p5 =	por $0x0, $0x0;
	_ =	swait.ge [sflag:s8], $0x1000  }
0x25: {  	s18 =	sand.u32 @!p1 $0x1, s2;
	p1 =	por $0x0, $0x0;
	[sflag:s8] =	ssyncset.done $0x0  }
0x26: {  	s21 =	sadd.s32 $0x1, s15;
	s17 =	simm.s32 $0x1;
	[sflag:s8] =	ssyncadd.s32 $0xFFFFF000  }
0x27: {  	s20 =	simm.s32 $0x0;
	s17 =	simm.s32 @!p0 $0x0;
	_ =	swait.ge [sflag:s10], $0x1000  }
0x28: {  	s19 =	simm.s32 $0x17;
	s25 =	sadd.s32 $0x1, s17;
	[sflag:s10] =	ssyncset.done $0x0  }
0x29: {  	s17 =	simm.s32 $0x0;
	s26 =	simm.s32 $0x1;
	[sflag:s10] =	ssyncadd.s32 $0xFFFFF000  }
0x2a: {  	s24 =	simm.s32 $0x0;
	s26 =	simm.s32 @!p5 $0x0;
	_ =	swait.ge [sflag:s11], $0x1000  }
0x2b: {  	p5 =	seq.s32 s21, $0x19;
	s16 =	simm.s32 $0x18;
	[sflag:s11] =	ssyncset.done $0x0  }
0x2c: {  	s0 =	sadd.s32 $0x0, s5;
	s21 =	simm.s32 @p5 $0x0;
	[sflag:s11] =	ssyncadd.s32 $0xFFFFF000  }
0x2d: {  	p5 =	por p4, p3;
	p0 =	sne.s32 s15, s21;
	_ =	swait.ge [sflag:s12], $0x1000  }
0x2e: {  	s0 =	sshll.u32 @p5 s0, $0xB;
	p6 =	por !p6, !p0;
	[sflag:s12] =	ssyncset.done $0x0  }
0x2f: {  	s31 =	simm.s32 @!p5 $0x0;
	p3 =	por !p6, !p6;
	[sflag:s12] =	ssyncadd.s32 $0xFFFFF000  }
0x30: {  	s30 =	sand.u32 @p3 $0x1, s25;
	s28 =	sadd.s32 @p3 s5, s21;
	_ =	strace $0x90000055  }
.LBB2_2:
0x31: {  	_ =	strace @p5 $0x80000056  }
0x32: {  	s29 =	smov.u32 s15;
	s0 =	sand.u32 @p5 $0x1FFFF800, s0;
	s15 =	rddreg [dreg:$0x3]  }
0x33: {  	s23 =	sadd.s32 @p5 $0x7, s23;
	s6 =	simm.s32 @p5 $0x0;
	s0 =	sadd.s32 @p5 s15, s0  }
0x34: {  	[hbm4b:s0+s6] =	stream.linear.scatter @p5 [tilespmem:s22], [sflag:s23], $0x4000, $0x200038;
	[tilespmem:$0x8400] =	vst v63  }
0x35: {  	_ =	strace @p5 $0x90000056  }
0x36: {  	s0 =	sadd.s32 @!p2 $0x7, s18;
	_ =	strace @!p2 $0x80000057  }
0x37: {  	s3 =	sshll.u32 @p3 s28, $0x6;
	_ =	swait.ge @!p2 [sflag:s0], $0x4000  }
0x38: {  	s17 =	sadd.s32 s26, s17;
	s24 =	sadd.s32 s31, s24;
	[sflag:s0] =	ssyncset.done @!p2 $0x0  }
0x39: {  	s3 =	sand.u32 @p3 $0x1FFFFFC0, s3;
	s26 =	sand.u32 @!p1 $0x1, s17;
	[sflag:s0] =	ssyncadd.s32 @!p2 $0xFFFFC000  }
0x3a: {  	s3 =	sadd.s32 @p3 s4, s3;
	s6 =	simm.s32 @p3 $0x0;
	_ =	strace @!p2 $0x90000057  }
0x3b: {  	s22 =	sshll.u32 @p3 s30, $0x9;
	s23 =	sadd.s32 @p3 $0x5, s30;
	_ =	strace @p3 $0x80000053  }
0x3c: {  	[tilespmem:s22], [sflag:s23] =	stream.linear.gather @p3 [hbm4b:s3+s6], $0x200, $0x200038;
	[tilespmem:$0x8400] =	vst v63  }
0x3d: {  	s18 =	smov.u32 s26;
	s26 =	sand.u32 $0x1, s24;
	_ =	strace @p3 $0x90000053  }
0x3e: {  	s0 =	sadd.s32 $0x5, s26;
	_ =	strace $0x80000054  }
0x3f: {  	_ =	swait.ge [sflag:s0], $0x200  }
0x40: {  	s20 =	sadd.s32 s31, s20;
	[sflag:s0] =	ssyncset.done $0x0  }
0x41: {  	s23 =	sand.u32 $0x1, s20;
	[sflag:s0] =	ssyncadd.s32 $0xFFFFFE00  }
0x42: {  	s26 =	sshll.u32 s24, $0x9;
	s3 =	sshll.u32 s23, $0xE;
	_ =	strace $0x90000054  }
0x43: {  	s6 =	sand.u32 $0x200, s26;
	s22 =	sor.u32 $0x400, s3;
	_ =	strace $0x80000055  }
0x44: {  	[tilespmem:s22], [sflag:$0x1] =	stream.indirect.gather [hbm4b:s1+s9], $0x20, s6, s9, $0x2000b8;
	[tilespmem:$0x8400] =	vst v63  }
0x45: {  	s28 =	smov.u32 s16;
	s26 =	sor.u32 $0x80, s6;
	s0 =	sor.u32 $0x1400, s3  }
0x46: {  	[tilespmem:s0], [sflag:$0x2] =	stream.indirect.gather [hbm4b:s1+s9], $0x20, s26, s9, $0x2000b8;
	[tilespmem:$0x8400] =	vst v63  }
0x47: {  	s16 =	smov.u32 s19;
	s0 =	sor.u32 $0x2400, s3;
	s26 =	sor.u32 $0x100, s6  }
0x48: {  	[tilespmem:s0], [sflag:$0x3] =	stream.indirect.gather [hbm4b:s1+s9], $0x20, s26, s9, $0x2000b8;
	[tilespmem:$0x8400] =	vst v63  }
0x49: {  	s19 =	sadd.s32 $0xFFFFFFFF, s19;
	s3 =	sor.u32 $0x3400, s3;
	s26 =	sor.u32 $0x180, s6  }
0x4a: {  	[tilespmem:s3], [sflag:$0x4] =	stream.indirect.gather [hbm4b:s1+s9], $0x20, s26, s9, $0x2000b8;
	[tilespmem:$0x8400] =	vst v63  }
0x4b: {  	s31 =	simm.s32 $0x1;
	p4 =	sne.s32 s19, $0x0;
	_ =	swait.ge [sflag:s8], $0x1000  }
0x4c: {  	p6 =	sne.s32 s28, $0x19;
	p5 =	seq.s32 s28, $0x1;
	[sflag:s8] =	ssyncset.done $0x0  }
0x4d: {  	s15 =	smov.u32 s21;
	p5 =	por p5, p0;
	[sflag:s8] =	ssyncadd.s32 $0xFFFFF000  }
0x4e: {  	s21 =	sadd.s32 $0x1, s21;
	s31 =	simm.s32 @!p5 $0x0;
	_ =	swait.ge [sflag:s10], $0x1000  }
0x4f: {  	p2 =	por p1, p1;
	s0 =	sadd.s32 s5, s29;
	[sflag:s10] =	ssyncset.done $0x0  }
0x50: {  	p1 =	seq.s32 s16, $0x19;
	s0 =	sshll.u32 @p5 s0, $0xB;
	[sflag:s10] =	ssyncadd.s32 $0xFFFFF000  }
0x51: {  	s26 =	simm.s32 $0x1;
	s3 =	simm.s32 $0x1;
	_ =	swait.ge [sflag:s11], $0x1000  }
0x52: {  	s26 =	simm.s32 @!p6 $0x0;
	p6 =	seq.s32 s21, $0x19;
	[sflag:s11] =	ssyncset.done $0x0  }
.Ltmp0:
0x53: {  	s21 =	simm.s32 @p6 $0x0;
	[sflag:s11] =	ssyncadd.s32 $0xFFFFF000;
	(pc) =	sbr.rel @p4 .LBB2_2-.Ltmp0, $4  }
0x54: {  	p6 =	sne.s32 s16, $0x1;
	p0 =	sne.s32 s15, s21;
	_ =	swait.ge [sflag:s12], $0x1000  }
0x55: {  	s3 =	simm.s32 @!p3 $0x0;
	p3 =	por !p6, !p0;
	[sflag:s12] =	ssyncset.done $0x0  }
0x56: {  	s25 =	sadd.s32 s3, s25;
	p3 =	por !p3, !p3;
	[sflag:s12] =	ssyncadd.s32 $0xFFFFF000  }
0x57: {  	s30 =	sand.u32 @p3 $0x1, s25;
	s28 =	sadd.s32 @p3 s5, s21;
	_ =	strace $0x90000055  }
0x58: {  	_ =	strace @p5 $0x80000056  }
0x59: {  	s0 =	sand.u32 @p5 $0x1FFFF800, s0;
	s3 =	rddreg [dreg:$0x3]  }
0x5a: {  	s6 =	sadd.s32 @p5 $0x7, s23;
	s19 =	simm.s32 @p5 $0x0;
	s0 =	sadd.s32 @p5 s3, s0  }
0x5b: {  	[hbm4b:s0+s19] =	stream.linear.scatter @p5 [tilespmem:s22], [sflag:s6], $0x4000, $0x200038;
	[tilespmem:$0x8400] =	vst v63  }
0x5c: {  	_ =	strace @p5 $0x90000056  }
0x5d: {  	s0 =	sadd.s32 @!p2 $0x7, s18;
	_ =	strace @!p2 $0x80000057  }
0x5e: {  	_ =	swait.ge @!p2 [sflag:s0], $0x4000  }
0x5f: {  	s3 =	sshll.u32 @p3 s28, $0x6;
	[sflag:s0] =	ssyncset.done @!p2 $0x0  }
0x60: {  	s3 =	sand.u32 @p3 $0x1FFFFFC0, s3;
	s22 =	sadd.s32 s31, s24;
	[sflag:s0] =	ssyncadd.s32 @!p2 $0xFFFFC000  }
0x61: {  	s6 =	simm.s32 @p3 $0x0;
	s18 =	sshll.u32 @p3 s30, $0x9;
	_ =	strace @!p2 $0x90000057  }
0x62: {  	s19 =	sadd.s32 @p3 $0x5, s30;
	s3 =	sadd.s32 @p3 s4, s3;
	_ =	strace @p3 $0x80000053  }
0x63: {  	[tilespmem:s18], [sflag:s19] =	stream.linear.gather @p3 [hbm4b:s3+s6], $0x200, $0x200038;
	[tilespmem:$0x8400] =	vst v63  }
0x64: {  	s23 =	sand.u32 $0x1, s22;
	_ =	strace @p3 $0x90000053  }
0x65: {  	s3 =	sadd.s32 $0x5, s23;
	_ =	strace $0x80000054  }
0x66: {  	_ =	swait.ge [sflag:s3], $0x200  }
0x67: {  	s24 =	sadd.s32 s31, s20;
	[sflag:s3] =	ssyncset.done $0x0  }
0x68: {  	s6 =	sand.u32 $0x1, s24;
	[sflag:s3] =	ssyncadd.s32 $0xFFFFFE00  }
0x69: {  	s0 =	sshll.u32 s22, $0x9;
	s25 =	sshll.u32 s6, $0xE;
	_ =	strace $0x90000054  }
0x6a: {  	s0 =	sand.u32 $0x200, s0;
	s18 =	sor.u32 $0x400, s25;
	_ =	strace $0x80000055  }
0x6b: {  	[tilespmem:s18], [sflag:$0x1] =	stream.indirect.gather [hbm4b:s1+s9], $0x20, s0, s9, $0x2000b8;
	[tilespmem:$0x8400] =	vst v63  }
0x6c: {  	s29 =	sor.u32 $0x80, s0;
	s28 =	sor.u32 $0x1400, s25  }
0x6d: {  	[tilespmem:s28], [sflag:$0x2] =	stream.indirect.gather [hbm4b:s1+s9], $0x20, s29, s9, $0x2000b8;
	[tilespmem:$0x8400] =	vst v63  }
0x6e: {  	s31 =	sor.u32 $0x100, s0;
	s30 =	sor.u32 $0x2400, s25  }
0x6f: {  	[tilespmem:s30], [sflag:$0x3] =	stream.indirect.gather [hbm4b:s1+s9], $0x20, s31, s9, $0x2000b8;
	[tilespmem:$0x8400] =	vst v63  }
0x70: {  	s3 =	sor.u32 $0x3400, s25;
	s0 =	sor.u32 $0x180, s0  }
0x71: {  	[tilespmem:s3], [sflag:$0x4] =	stream.indirect.gather [hbm4b:s1+s9], $0x20, s0, s9, $0x2000b8;
	[tilespmem:$0x8400] =	vst v63  }
0x72: {  	_ =	swait.ge [sflag:s8], $0x1000  }
0x73: {  	[sflag:s8] =	ssyncset.done $0x0  }
0x74: {  	[sflag:s8] =	ssyncadd.s32 $0xFFFFF000  }
0x75: {  	_ =	swait.ge [sflag:s10], $0x1000  }
0x76: {  	[sflag:s10] =	ssyncset.done $0x0  }
0x77: {  	[sflag:s10] =	ssyncadd.s32 $0xFFFFF000  }
0x78: {  	_ =	swait.ge [sflag:s11], $0x1000  }
0x79: {  	[sflag:s11] =	ssyncset.done $0x0  }
0x7a: {  	[sflag:s11] =	ssyncadd.s32 $0xFFFFF000  }
0x7b: {  	_ =	swait.ge [sflag:s12], $0x1000  }
0x7c: {  	[sflag:s12] =	ssyncset.done $0x0  }
0x7d: {  	p6 =	seq.s32 s16, $0x1;
	[sflag:s12] =	ssyncadd.s32 $0xFFFFF000  }
0x7e: {  	p0 =	por p6, p0;
	s0 =	sadd.s32 s5, s15;
	_ =	strace $0x90000055  }
0x7f: {  	s0 =	sshll.u32 @p0 s0, $0xB;
	_ =	strace @p0 $0x80000056  }
0x80: {  	s16 =	simm.s32 @p0 $0x0;
	s0 =	sand.u32 @p0 $0x1FFFF800, s0;
	s3 =	rddreg [dreg:$0x3]  }
0x81: {  	s6 =	sadd.s32 @p0 $0x7, s6;
	s15 =	sadd.s32 s26, s17;
	s0 =	sadd.s32 @p0 s3, s0  }
0x82: {  	[hbm4b:s0+s16] =	stream.linear.scatter @p0 [tilespmem:s18], [sflag:s6], $0x4000, $0x200038;
	[tilespmem:$0x8400] =	vst v63  }
0x83: {  	s0 =	sand.u32 @!p1 $0x1, s15;
	p1 =	por p1, p1;
	_ =	strace @p0 $0x90000056  }
0x84: {  	s0 =	sadd.s32 @!p1 $0x7, s0;
	_ =	strace @!p1 $0x80000057  }
0x85: {  	_ =	swait.ge @!p1 [sflag:s0], $0x4000  }
0x86: {  	[sflag:s0] =	ssyncset.done @!p1 $0x0  }
0x87: {  	s14 =	sadd.s32 $0x1, s14;
	[sflag:s0] =	ssyncadd.s32 @!p1 $0xFFFFC000  }
0x88: {  	p0 =	sne.s32 s14, s7;
	_ =	strace @!p1 $0x90000057  }
.Ltmp1:
0x89: {  	_ =	strace $0x80000058;
	(pc) =	sbr.rel @p0 .LBB2_1-.Ltmp1, $4  }
0x8a: {  	_ =	swait.ge [sflag:s13], $0x4000  }
0x8b: {  	[sflag:s13] =	ssyncset.done $0x0  }
0x8c: {  	[sflag:s13] =	ssyncadd.s32 $0xFFFFC000  }
0x8d: {  	_ =	strace $0x90000058  }
0x8e: {  	_ =	sfence.sel $0x180000  }
0x8f: {  	[bflag:$0x0] =	sbarrier.arrive $0xFFFF  }
0x90: {  	_ =	strace $0x90000051  }
0x91: {  	s0 =	stileid.u32;
	[bflag:$0x2] =	sbarrier.arrive $0xFFFF  }
0x92: {  	p0 =	sne.s32 s0, $0x0;
	s0 =	rddreg [dreg:$0x2]  }
0x93: {  	s0 =	sadd.s32 @!p0 $0x100000, s0  }
0x94: {  	[sflag:s0] =	ssyncadd.tile.s32 @!p0 $0x1;
	_ =	shalt  }
.Lfunc_end2:
_tile_overlayer_lowered:
.L_overlay_start_2:
0x95: {  	(tag) =	ssettag $0x2  }
0x96: {  	s0 =	rddreg [dreg:$0x0];
	s2 =	stileid.u32  }
0x97: {  	s1 =	rddreg [dreg:$0x1];
	p0 =	sne.s32 s2, $0x0  }
0x98: {  	s3 =	rddreg [dreg:$0x2];
	[bflag:$0x3] =	sbarrier.arrive $0xFFFF;
	s2 =	simm.s32 @!p0 $0x1C05  }
0x99: {  	[timem:s3], [sflag:s2] =	dma.local @!p0 [hbm:s0], s1  }
0x9a: {  	s0 =	simm.s32 @!p0 $0x5  }
0x9b: {  	_ =	swait.ge @!p0 [sflag:s0], s1  }
0x9c: {  	s1 =	ssub.s32 @!p0 $0x0, s1;
	[sflag:s0] =	ssyncset.done @!p0 $0x0  }
0x9d: {  	[sflag:s0] =	ssyncadd.s32 @!p0 s1  }
0x9e: {  	[bflag:$0x3] =	sbarrier.arrive $0xFFFF  }
0x9f: {  	_ =	shalt  }

</sc_bundles>
